<compile_context>
chip_gen: v7x
topology: tpu7x:2x2x1
jax: 0.10.2.dev20260603
libtpu: 0.0.44.dev20260713+nightly
codegen_flags: <defaults>
</compile_context>

<pallas_src>
import functools

import jax
import jax.numpy as jnp
from jax import lax
from jax.experimental import pallas as pl
from jax.experimental.pallas import tpu as pltpu
from jax.experimental.pallas import tpu_sc as plsc

B = 16384
D = 32
RADIX = 1000
LANES = 16
NC, NS = 2, 16
NW = NC * NS
BPW = B // NW
K = 8
NPAIR = BPW // (2 * K)
TW = 128


def _make_kernel(table_dtype):
    mesh = plsc.VectorSubcoreMesh(core_axis_name="c", subcore_axis_name="s")

    @functools.partial(
        pl.kernel,
        mesh=mesh,
        compiler_params=pltpu.CompilerParams(
            needs_layout_passes=False,
            use_tc_tiling_on_sc=True,
            disable_bounds_checks=True,
        ),
        out_type=jax.ShapeDtypeStruct((D, B), table_dtype),
        scratch_types=[
            pltpu.VMEM((BPW,), jnp.int32),
            pltpu.VMEM((BPW,), jnp.int32),
            pltpu.VMEM((2, K, D, TW), table_dtype),
            pltpu.VMEM((D, BPW), table_dtype),
            pltpu.SemaphoreType.DMA,
            pltpu.SemaphoreType.DMA,
        ],
    )
    def k(in0_hbm, in1_hbm, table_hbm, out_hbm,
          in0_v, in1_v, ring_v, out_v, sem_a, sem_b):
        wid = lax.axis_index("s") * NC + lax.axis_index("c")
        base = wid * BPW
        pltpu.sync_copy(in0_hbm.at[pl.ds(base, BPW)], in0_v)
        pltpu.sync_copy(in1_hbm.at[pl.ds(base, BPW)], in1_v)
        jlo = lax.iota(jnp.int32, LANES)
        jhi = jlo + LANES

        def load_r(i0):
            return in0_v[pl.ds(i0, LANES)] * RADIX + in1_v[pl.ds(i0, LANES)]

        def fire(cvec, lane0, half, sem):
            for kk in range(K):
                pltpu.async_copy(
                    table_hbm.at[:, pl.ds(
                        pl.multiple_of(cvec[lane0 + kk], TW), TW)],
                    ring_v.at[half, kk],
                    sem,
                )

        def drain(half, sem):
            pltpu.make_async_copy(
                table_hbm.at[:, pl.ds(0, TW)], ring_v.at[half], sem,
            ).wait()

        def extract(lvec, lane0, half, li0):
            hvec = jlo * 0 + half
            for kk in range(K):
                kvec = jlo * 0 + kk
                lane = jlo * 0 + lvec[lane0 + kk]
                col = jlo * 0 + (li0 + kk)
                plsc.store_scatter(
                    out_v, [jlo, col],
                    plsc.load_gather(ring_v, [hvec, kvec, jlo, lane]))
                plsc.store_scatter(
                    out_v, [jhi, col],
                    plsc.load_gather(ring_v, [hvec, kvec, jhi, lane]))

        r0 = load_r(0)
        fire(lax.shift_right_logical(r0, 7) * TW, 0, 0, sem_a)

        def body(p, carry):
            i0 = p * 2 * K
            rcur = load_r(i0)
            ccur = lax.shift_right_logical(rcur, 7) * TW
            lcur = rcur & (TW - 1)
            fire(ccur, K, 1, sem_b)
            drain(0, sem_a)
            extract(lcur, 0, 0, i0)

            @pl.when(p + 1 < NPAIR)
            def _():
                rnxt = load_r(i0 + 2 * K)
                fire(lax.shift_right_logical(rnxt, 7) * TW, 0, 0, sem_a)

            drain(1, sem_b)
            extract(lcur, K, 1, i0 + K)
            return carry

        lax.fori_loop(0, NPAIR, body, 0)
        pltpu.sync_copy(out_v, out_hbm.at[:, pl.ds(base, BPW)])

    return k


def kernel(input0, input1, table):
    k = _make_kernel(table.dtype)
    out_t = k(input0.astype(jnp.int32), input1.astype(jnp.int32), table.T)
    return out_t.T

# --- scband reference (transcript-rebuilt; emitter-appended) ---
"""Pipeline reference for scband-multi-embed-59124519797279 (READ-ONLY COPY).

The authoritative reference and input builder live on the scoring server;
editing this copy changes nothing except your own understanding.
"""

import jax, jax.numpy as jnp
import numpy as np

SIZES = (1000, 1000)
FEATURES = 32

def setup_inputs(seed: int = 0) -> dict:
    key = jax.random.key(seed)
    k0, k1, k2 = jax.random.split(key, 3)
    input0 = jax.random.randint(k0, (16384,), 0, 1000, dtype=jnp.int64 if jax.config.jax_enable_x64 else jnp.int32)
    input1 = jax.random.randint(k1, (16384,), 0, 1000, dtype=jnp.int64 if jax.config.jax_enable_x64 else jnp.int32)
    total = SIZES[0] * SIZES[1]
    table = jax.random.normal(k2, (total, FEATURES), dtype=jnp.float32) * 0.02
    return {"input0": input0, "input1": input1, "table": table}

def reference(input0, input1, table):
    inputs = (input0, input1)
    index = jnp.zeros_like(inputs[0])
    valid = jnp.full(index.shape, True)
    for size, inp in zip(SIZES, inputs):
        valid = valid & ((inp >= 0) & (inp < size))
        index = index * size
        index = index + inp
    embed = jnp.where(valid[..., None], jnp.take(table, index, axis=0), 0)
    return embed

if __name__ == "__main__":
    import jax
    _d = setup_inputs()
    print(jax.jit(kernel)(*tuple(_d.values())))

</pallas_src>

<mosaic_0001>
#map = affine_map<(d0, d1) -> (0)>
#map1 = affine_map<(d0, d1) -> (0, 0)>
module attributes {stable_mosaic.version = 14 : i64} {
  func.func @k(%arg0: i32, %arg1: i32, %arg2: memref<16384xi32, #tpu.memory_space<hbm>>, %arg3: memref<16384xi32, #tpu.memory_space<hbm>>, %arg4: memref<32x1000000xf32, #tpu.memory_space<hbm>>, %arg5: memref<32x16384xf32, #tpu.memory_space<hbm>>, %arg6: memref<512xi32, #tpu.memory_space<vmem>>, %arg7: memref<512xi32, #tpu.memory_space<vmem>>, %arg8: memref<2x8x32x128xf32, #tpu.memory_space<vmem>>, %arg9: memref<32x512xf32, #tpu.memory_space<vmem>>, %arg10: memref<!tpu.dma_semaphore, #tpu.memory_space<semaphore_mem>>, %arg11: memref<!tpu.dma_semaphore, #tpu.memory_space<semaphore_mem>>) attributes {dimension_semantics = [#tpu.dimension_semantics<core_parallel>, #tpu.dimension_semantics<subcore_parallel>], iteration_bounds = array<i64: 2, 16>, scalar_prefetch = 0 : i64, scratch_operands = 6 : i64, tpu.core_type = #tpu.core_type<sc_vector_subcore>, window_params = [{transform_indices = #map}, {transform_indices = #map}, {transform_indices = #map1}, {transform_indices = #map1}]} {
    %mul3A = arith.constant 2 : i32
    %mul3A_0 = arith.muli %arg1, %mul3A : i32
    %add3A = arith.addi %mul3A_0, %arg0 : i32
    %mul3A_1 = arith.constant 512 : i32
    %mul3A_2 = arith.muli %add3A, %mul3A_1 : i32
    "tpu.region"() ({
      %run_scoped3A = tpu.sem_alloc : memref<!tpu.dma_semaphore, #tpu.memory_space<semaphore_mem>>
      %dma_start3A_155 = tpu.memref_slice %arg2[%mul3A_2] : memref<16384xi32, #tpu.memory_space<hbm>> -> memref<512xi32, #tpu.memory_space<hbm>>
      %dma_start3A_156 = tpu.memref_slice %arg2[%mul3A_2] : memref<16384xi32, #tpu.memory_space<hbm>> -> memref<512xi32, #tpu.memory_space<hbm>>
      tpu.enqueue_dma source(%dma_start3A_156 : memref<512xi32, #tpu.memory_space<hbm>>) target(%arg6 : memref<512xi32, #tpu.memory_space<vmem>>) target_semaphore(%run_scoped3A : memref<!tpu.dma_semaphore, #tpu.memory_space<semaphore_mem>>)
      %dma_wait3A = tpu.memref_slice %arg2[%mul3A_2] : memref<16384xi32, #tpu.memory_space<hbm>> -> memref<512xi32, #tpu.memory_space<hbm>>
      %dma_wait3A_157 = tpu.memref_slice %arg2[%mul3A_2] : memref<16384xi32, #tpu.memory_space<hbm>> -> memref<512xi32, #tpu.memory_space<hbm>>
      tpu.wait_dma2 semaphore(%run_scoped3A : memref<!tpu.dma_semaphore, #tpu.memory_space<semaphore_mem>>) src(%dma_wait3A_157 : memref<512xi32, #tpu.memory_space<hbm>>) dst(%arg6 : memref<512xi32, #tpu.memory_space<vmem>>)
      tpu.yield
    }) : () -> ()
    "tpu.region"() ({
      %run_scoped3A = tpu.sem_alloc : memref<!tpu.dma_semaphore, #tpu.memory_space<semaphore_mem>>
      %dma_start3A_155 = tpu.memref_slice %arg3[%mul3A_2] : memref<16384xi32, #tpu.memory_space<hbm>> -> memref<512xi32, #tpu.memory_space<hbm>>
      %dma_start3A_156 = tpu.memref_slice %arg3[%mul3A_2] : memref<16384xi32, #tpu.memory_space<hbm>> -> memref<512xi32, #tpu.memory_space<hbm>>
      tpu.enqueue_dma source(%dma_start3A_156 : memref<512xi32, #tpu.memory_space<hbm>>) target(%arg7 : memref<512xi32, #tpu.memory_space<vmem>>) target_semaphore(%run_scoped3A : memref<!tpu.dma_semaphore, #tpu.memory_space<semaphore_mem>>)
      %dma_wait3A = tpu.memref_slice %arg3[%mul3A_2] : memref<16384xi32, #tpu.memory_space<hbm>> -> memref<512xi32, #tpu.memory_space<hbm>>
      %dma_wait3A_157 = tpu.memref_slice %arg3[%mul3A_2] : memref<16384xi32, #tpu.memory_space<hbm>> -> memref<512xi32, #tpu.memory_space<hbm>>
      tpu.wait_dma2 semaphore(%run_scoped3A : memref<!tpu.dma_semaphore, #tpu.memory_space<semaphore_mem>>) src(%dma_wait3A_157 : memref<512xi32, #tpu.memory_space<hbm>>) dst(%arg7 : memref<512xi32, #tpu.memory_space<vmem>>)
      tpu.yield
    }) : () -> ()
    %iota3A = tpu.iota {dimensions = array<i32: 0>} : vector<16xi32>
    %add3A_3 = arith.constant 16 : i32
    %add3A_4 = vector.broadcast %add3A_3 : i32 to vector<16xi32>
    %add3A_5 = arith.addi %iota3A, %add3A_4 : vector<16xi32>
    %get3A = arith.constant 0 : index
    %get3A_6 = tpu.vector_load %arg6[%get3A] {strides = array<i32>} : memref<512xi32, #tpu.memory_space<vmem>>, vector<16xi32>,
    %mul3A_7 = arith.constant 1000 : i32
    %mul3A_8 = vector.broadcast %mul3A_7 : i32 to vector<16xi32>
    %mul3A_9 = arith.muli %get3A_6, %mul3A_8 : vector<16xi32>
    %get3A_10 = arith.constant 0 : index
    %get3A_11 = tpu.vector_load %arg7[%get3A_10] {strides = array<i32>} : memref<512xi32, #tpu.memory_space<vmem>>, vector<16xi32>,
    %add3A_12 = arith.addi %mul3A_9, %get3A_11 : vector<16xi32>
    %shift_right_logical3A = arith.constant 7 : i32
    %shift_right_logical3A_13 = vector.broadcast %shift_right_logical3A : i32 to vector<16xi32>
    %shift_right_logical3A_14 = arith.shrui %add3A_12, %shift_right_logical3A_13 : vector<16xi32>
    %mul3A_15 = arith.constant 128 : i32
    %mul3A_16 = vector.broadcast %mul3A_15 : i32 to vector<16xi32>
    %mul3A_17 = arith.muli %shift_right_logical3A_14, %mul3A_16 : vector<16xi32>
    %slice3A = vector.extract_strided_slice %mul3A_17 {offsets = [0], sizes = [1], strides = [1]} : vector<16xi32> to vector<1xi32>
    %squeeze3A = vector.extract %slice3A[0] : i32 from vector<1xi32>
    %multiple_of3A = tpu.assume_multiple %squeeze3A, 128 : i32
    %dma_start3A = arith.constant 0 : i32
    %dma_start3A_18 = arith.constant 0 : i32
    %dma_start3A_19 = arith.constant 0 : i32
    %dma_start3A_20 = arith.constant 0 : i32
    %dma_start3A_21 = tpu.memref_slice %arg8[%dma_start3A, %dma_start3A_18, %dma_start3A_19, %dma_start3A_20] : memref<2x8x32x128xf32, #tpu.memory_space<vmem>> -> memref<1x1x32x128xf32, #tpu.memory_space<vmem>>
    %dma_start3A_22 = tpu.memref_squeeze %dma_start3A_21 : memref<1x1x32x128xf32, #tpu.memory_space<vmem>> -> memref<32x128xf32, #tpu.memory_space<vmem>>
    %dma_start3A_23 = arith.constant 0 : i32
    %dma_start3A_24 = tpu.memref_slice %arg4[%dma_start3A_23, %multiple_of3A] : memref<32x1000000xf32, #tpu.memory_space<hbm>> -> memref<32x128xf32, #tpu.memory_space<hbm>>
    %dma_start3A_25 = arith.constant 0 : i32
    %dma_start3A_26 = arith.constant 0 : i32
    %dma_start3A_27 = tpu.memref_slice %arg8[%dma_start3A, %dma_start3A_18, %dma_start3A_25, %dma_start3A_26] : memref<2x8x32x128xf32, #tpu.memory_space<vmem>> -> memref<1x1x32x128xf32, #tpu.memory_space<vmem>>
    %dma_start3A_28 = tpu.memref_squeeze %dma_start3A_27 : memref<1x1x32x128xf32, #tpu.memory_space<vmem>> -> memref<32x128xf32, #tpu.memory_space<vmem>>
    %dma_start3A_29 = arith.constant 0 : i32
    %dma_start3A_30 = tpu.memref_slice %arg4[%dma_start3A_29, %multiple_of3A] : memref<32x1000000xf32, #tpu.memory_space<hbm>> -> memref<32x128xf32, #tpu.memory_space<hbm>>
    tpu.enqueue_dma source(%dma_start3A_30 : memref<32x128xf32, #tpu.memory_space<hbm>>) target(%dma_start3A_28 : memref<32x128xf32, #tpu.memory_space<vmem>>) target_semaphore(%arg10 : memref<!tpu.dma_semaphore, #tpu.memory_space<semaphore_mem>>)
    %slice3A_31 = vector.extract_strided_slice %mul3A_17 {offsets = [1], sizes = [1], strides = [1]} : vector<16xi32> to vector<1xi32>
    %squeeze3A_32 = vector.extract %slice3A_31[0] : i32 from vector<1xi32>
    %multiple_of3A_33 = tpu.assume_multiple %squeeze3A_32, 128 : i32
    %dma_start3A_34 = arith.constant 0 : i32
    %dma_start3A_35 = arith.constant 1 : i32
    %dma_start3A_36 = arith.constant 0 : i32
    %dma_start3A_37 = arith.constant 0 : i32
    %dma_start3A_38 = tpu.memref_slice %arg8[%dma_start3A_34, %dma_start3A_35, %dma_start3A_36, %dma_start3A_37] : memref<2x8x32x128xf32, #tpu.memory_space<vmem>> -> memref<1x1x32x128xf32, #tpu.memory_space<vmem>>
    %dma_start3A_39 = tpu.memref_squeeze %dma_start3A_38 : memref<1x1x32x128xf32, #tpu.memory_space<vmem>> -> memref<32x128xf32, #tpu.memory_space<vmem>>
    %dma_start3A_40 = arith.constant 0 : i32
    %dma_start3A_41 = tpu.memref_slice %arg4[%dma_start3A_40, %multiple_of3A_33] : memref<32x1000000xf32, #tpu.memory_space<hbm>> -> memref<32x128xf32, #tpu.memory_space<hbm>>
    %dma_start3A_42 = arith.constant 0 : i32
    %dma_start3A_43 = arith.constant 0 : i32
    %dma_start3A_44 = tpu.memref_slice %arg8[%dma_start3A_34, %dma_start3A_35, %dma_start3A_42, %dma_start3A_43] : memref<2x8x32x128xf32, #tpu.memory_space<vmem>> -> memref<1x1x32x128xf32, #tpu.memory_space<vmem>>
    %dma_start3A_45 = tpu.memref_squeeze %dma_start3A_44 : memref<1x1x32x128xf32, #tpu.memory_space<vmem>> -> memref<32x128xf32, #tpu.memory_space<vmem>>
    %dma_start3A_46 = arith.constant 0 : i32
    %dma_start3A_47 = tpu.memref_slice %arg4[%dma_start3A_46, %multiple_of3A_33] : memref<32x1000000xf32, #tpu.memory_space<hbm>> -> memref<32x128xf32, #tpu.memory_space<hbm>>
    tpu.enqueue_dma source(%dma_start3A_47 : memref<32x128xf32, #tpu.memory_space<hbm>>) target(%dma_start3A_45 : memref<32x128xf32, #tpu.memory_space<vmem>>) target_semaphore(%arg10 : memref<!tpu.dma_semaphore, #tpu.memory_space<semaphore_mem>>)
    %slice3A_48 = vector.extract_strided_slice %mul3A_17 {offsets = [2], sizes = [1], strides = [1]} : vector<16xi32> to vector<1xi32>
    %squeeze3A_49 = vector.extract %slice3A_48[0] : i32 from vector<1xi32>
    %multiple_of3A_50 = tpu.assume_multiple %squeeze3A_49, 128 : i32
    %dma_start3A_51 = arith.constant 0 : i32
    %dma_start3A_52 = arith.constant 2 : i32
    %dma_start3A_53 = arith.constant 0 : i32
    %dma_start3A_54 = arith.constant 0 : i32
    %dma_start3A_55 = tpu.memref_slice %arg8[%dma_start3A_51, %dma_start3A_52, %dma_start3A_53, %dma_start3A_54] : memref<2x8x32x128xf32, #tpu.memory_space<vmem>> -> memref<1x1x32x128xf32, #tpu.memory_space<vmem>>
    %dma_start3A_56 = tpu.memref_squeeze %dma_start3A_55 : memref<1x1x32x128xf32, #tpu.memory_space<vmem>> -> memref<32x128xf32, #tpu.memory_space<vmem>>
    %dma_start3A_57 = arith.constant 0 : i32
    %dma_start3A_58 = tpu.memref_slice %arg4[%dma_start3A_57, %multiple_of3A_50] : memref<32x1000000xf32, #tpu.memory_space<hbm>> -> memref<32x128xf32, #tpu.memory_space<hbm>>
    %dma_start3A_59 = arith.constant 0 : i32
    %dma_start3A_60 = arith.constant 0 : i32
    %dma_start3A_61 = tpu.memref_slice %arg8[%dma_start3A_51, %dma_start3A_52, %dma_start3A_59, %dma_start3A_60] : memref<2x8x32x128xf32, #tpu.memory_space<vmem>> -> memref<1x1x32x128xf32, #tpu.memory_space<vmem>>
    %dma_start3A_62 = tpu.memref_squeeze %dma_start3A_61 : memref<1x1x32x128xf32, #tpu.memory_space<vmem>> -> memref<32x128xf32, #tpu.memory_space<vmem>>
    %dma_start3A_63 = arith.constant 0 : i32
    %dma_start3A_64 = tpu.memref_slice %arg4[%dma_start3A_63, %multiple_of3A_50] : memref<32x1000000xf32, #tpu.memory_space<hbm>> -> memref<32x128xf32, #tpu.memory_space<hbm>>
    tpu.enqueue_dma source(%dma_start3A_64 : memref<32x128xf32, #tpu.memory_space<hbm>>) target(%dma_start3A_62 : memref<32x128xf32, #tpu.memory_space<vmem>>) target_semaphore(%arg10 : memref<!tpu.dma_semaphore, #tpu.memory_space<semaphore_mem>>)
    %slice3A_65 = vector.extract_strided_slice %mul3A_17 {offsets = [3], sizes = [1], strides = [1]} : vector<16xi32> to vector<1xi32>
    %squeeze3A_66 = vector.extract %slice3A_65[0] : i32 from vector<1xi32>
    %multiple_of3A_67 = tpu.assume_multiple %squeeze3A_66, 128 : i32
    %dma_start3A_68 = arith.constant 0 : i32
    %dma_start3A_69 = arith.constant 3 : i32
    %dma_start3A_70 = arith.constant 0 : i32
    %dma_start3A_71 = arith.constant 0 : i32
    %dma_start3A_72 = tpu.memref_slice %arg8[%dma_start3A_68, %dma_start3A_69, %dma_start3A_70, %dma_start3A_71] : memref<2x8x32x128xf32, #tpu.memory_space<vmem>> -> memref<1x1x32x128xf32, #tpu.memory_space<vmem>>
    %dma_start3A_73 = tpu.memref_squeeze %dma_start3A_72 : memref<1x1x32x128xf32, #tpu.memory_space<vmem>> -> memref<32x128xf32, #tpu.memory_space<vmem>>
    %dma_start3A_74 = arith.constant 0 : i32
    %dma_start3A_75 = tpu.memref_slice %arg4[%dma_start3A_74, %multiple_of3A_67] : memref<32x1000000xf32, #tpu.memory_space<hbm>> -> memref<32x128xf32, #tpu.memory_space<hbm>>
    %dma_start3A_76 = arith.constant 0 : i32
    %dma_start3A_77 = arith.constant 0 : i32
    %dma_start3A_78 = tpu.memref_slice %arg8[%dma_start3A_68, %dma_start3A_69, %dma_start3A_76, %dma_start3A_77] : memref<2x8x32x128xf32, #tpu.memory_space<vmem>> -> memref<1x1x32x128xf32, #tpu.memory_space<vmem>>
    %dma_start3A_79 = tpu.memref_squeeze %dma_start3A_78 : memref<1x1x32x128xf32, #tpu.memory_space<vmem>> -> memref<32x128xf32, #tpu.memory_space<vmem>>
    %dma_start3A_80 = arith.constant 0 : i32
    %dma_start3A_81 = tpu.memref_slice %arg4[%dma_start3A_80, %multiple_of3A_67] : memref<32x1000000xf32, #tpu.memory_space<hbm>> -> memref<32x128xf32, #tpu.memory_space<hbm>>
    tpu.enqueue_dma source(%dma_start3A_81 : memref<32x128xf32, #tpu.memory_space<hbm>>) target(%dma_start3A_79 : memref<32x128xf32, #tpu.memory_space<vmem>>) target_semaphore(%arg10 : memref<!tpu.dma_semaphore, #tpu.memory_space<semaphore_mem>>)
    %slice3A_82 = vector.extract_strided_slice %mul3A_17 {offsets = [4], sizes = [1], strides = [1]} : vector<16xi32> to vector<1xi32>
    %squeeze3A_83 = vector.extract %slice3A_82[0] : i32 from vector<1xi32>
    %multiple_of3A_84 = tpu.assume_multiple %squeeze3A_83, 128 : i32
    %dma_start3A_85 = arith.constant 0 : i32
    %dma_start3A_86 = arith.constant 4 : i32
    %dma_start3A_87 = arith.constant 0 : i32
    %dma_start3A_88 = arith.constant 0 : i32
    %dma_start3A_89 = tpu.memref_slice %arg8[%dma_start3A_85, %dma_start3A_86, %dma_start3A_87, %dma_start3A_88] : memref<2x8x32x128xf32, #tpu.memory_space<vmem>> -> memref<1x1x32x128xf32, #tpu.memory_space<vmem>>
    %dma_start3A_90 = tpu.memref_squeeze %dma_start3A_89 : memref<1x1x32x128xf32, #tpu.memory_space<vmem>> -> memref<32x128xf32, #tpu.memory_space<vmem>>
    %dma_start3A_91 = arith.constant 0 : i32
    %dma_start3A_92 = tpu.memref_slice %arg4[%dma_start3A_91, %multiple_of3A_84] : memref<32x1000000xf32, #tpu.memory_space<hbm>> -> memref<32x128xf32, #tpu.memory_space<hbm>>
    %dma_start3A_93 = arith.constant 0 : i32
    %dma_start3A_94 = arith.constant 0 : i32
    %dma_start3A_95 = tpu.memref_slice %arg8[%dma_start3A_85, %dma_start3A_86, %dma_start3A_93, %dma_start3A_94] : memref<2x8x32x128xf32, #tpu.memory_space<vmem>> -> memref<1x1x32x128xf32, #tpu.memory_space<vmem>>
    %dma_start3A_96 = tpu.memref_squeeze %dma_start3A_95 : memref<1x1x32x128xf32, #tpu.memory_space<vmem>> -> memref<32x128xf32, #tpu.memory_space<vmem>>
    %dma_start3A_97 = arith.constant 0 : i32
    %dma_start3A_98 = tpu.memref_slice %arg4[%dma_start3A_97, %multiple_of3A_84] : memref<32x1000000xf32, #tpu.memory_space<hbm>> -> memref<32x128xf32, #tpu.memory_space<hbm>>
    tpu.enqueue_dma source(%dma_start3A_98 : memref<32x128xf32, #tpu.memory_space<hbm>>) target(%dma_start3A_96 : memref<32x128xf32, #tpu.memory_space<vmem>>) target_semaphore(%arg10 : memref<!tpu.dma_semaphore, #tpu.memory_space<semaphore_mem>>)
    %slice3A_99 = vector.extract_strided_slice %mul3A_17 {offsets = [5], sizes = [1], strides = [1]} : vector<16xi32> to vector<1xi32>
    %squeeze3A_100 = vector.extract %slice3A_99[0] : i32 from vector<1xi32>
    %multiple_of3A_101 = tpu.assume_multiple %squeeze3A_100, 128 : i32
    %dma_start3A_102 = arith.constant 0 : i32
    %dma_start3A_103 = arith.constant 5 : i32
    %dma_start3A_104 = arith.constant 0 : i32
    %dma_start3A_105 = arith.constant 0 : i32
    %dma_start3A_106 = tpu.memref_slice %arg8[%dma_start3A_102, %dma_start3A_103, %dma_start3A_104, %dma_start3A_105] : memref<2x8x32x128xf32, #tpu.memory_space<vmem>> -> memref<1x1x32x128xf32, #tpu.memory_space<vmem>>
    %dma_start3A_107 = tpu.memref_squeeze %dma_start3A_106 : memref<1x1x32x128xf32, #tpu.memory_space<vmem>> -> memref<32x128xf32, #tpu.memory_space<vmem>>
    %dma_start3A_108 = arith.constant 0 : i32
    %dma_start3A_109 = tpu.memref_slice %arg4[%dma_start3A_108, %multiple_of3A_101] : memref<32x1000000xf32, #tpu.memory_space<hbm>> -> memref<32x128xf32, #tpu.memory_space<hbm>>
    %dma_start3A_110 = arith.constant 0 : i32
    %dma_start3A_111 = arith.constant 0 : i32
    %dma_start3A_112 = tpu.memref_slice %arg8[%dma_start3A_102, %dma_start3A_103, %dma_start3A_110, %dma_start3A_111] : memref<2x8x32x128xf32, #tpu.memory_space<vmem>> -> memref<1x1x32x128xf32, #tpu.memory_space<vmem>>
    %dma_start3A_113 = tpu.memref_squeeze %dma_start3A_112 : memref<1x1x32x128xf32, #tpu.memory_space<vmem>> -> memref<32x128xf32, #tpu.memory_space<vmem>>
    %dma_start3A_114 = arith.constant 0 : i32
    %dma_start3A_115 = tpu.memref_slice %arg4[%dma_start3A_114, %multiple_of3A_101] : memref<32x1000000xf32, #tpu.memory_space<hbm>> -> memref<32x128xf32, #tpu.memory_space<hbm>>
    tpu.enqueue_dma source(%dma_start3A_115 : memref<32x128xf32, #tpu.memory_space<hbm>>) target(%dma_start3A_113 : memref<32x128xf32, #tpu.memory_space<vmem>>) target_semaphore(%arg10 : memref<!tpu.dma_semaphore, #tpu.memory_space<semaphore_mem>>)
    %slice3A_116 = vector.extract_strided_slice %mul3A_17 {offsets = [6], sizes = [1], strides = [1]} : vector<16xi32> to vector<1xi32>
    %squeeze3A_117 = vector.extract %slice3A_116[0] : i32 from vector<1xi32>
    %multiple_of3A_118 = tpu.assume_multiple %squeeze3A_117, 128 : i32
    %dma_start3A_119 = arith.constant 0 : i32
    %dma_start3A_120 = arith.constant 6 : i32
    %dma_start3A_121 = arith.constant 0 : i32
    %dma_start3A_122 = arith.constant 0 : i32
    %dma_start3A_123 = tpu.memref_slice %arg8[%dma_start3A_119, %dma_start3A_120, %dma_start3A_121, %dma_start3A_122] : memref<2x8x32x128xf32, #tpu.memory_space<vmem>> -> memref<1x1x32x128xf32, #tpu.memory_space<vmem>>
    %dma_start3A_124 = tpu.memref_squeeze %dma_start3A_123 : memref<1x1x32x128xf32, #tpu.memory_space<vmem>> -> memref<32x128xf32, #tpu.memory_space<vmem>>
    %dma_start3A_125 = arith.constant 0 : i32
    %dma_start3A_126 = tpu.memref_slice %arg4[%dma_start3A_125, %multiple_of3A_118] : memref<32x1000000xf32, #tpu.memory_space<hbm>> -> memref<32x128xf32, #tpu.memory_space<hbm>>
    %dma_start3A_127 = arith.constant 0 : i32
    %dma_start3A_128 = arith.constant 0 : i32
    %dma_start3A_129 = tpu.memref_slice %arg8[%dma_start3A_119, %dma_start3A_120, %dma_start3A_127, %dma_start3A_128] : memref<2x8x32x128xf32, #tpu.memory_space<vmem>> -> memref<1x1x32x128xf32, #tpu.memory_space<vmem>>
    %dma_start3A_130 = tpu.memref_squeeze %dma_start3A_129 : memref<1x1x32x128xf32, #tpu.memory_space<vmem>> -> memref<32x128xf32, #tpu.memory_space<vmem>>
    %dma_start3A_131 = arith.constant 0 : i32
    %dma_start3A_132 = tpu.memref_slice %arg4[%dma_start3A_131, %multiple_of3A_118] : memref<32x1000000xf32, #tpu.memory_space<hbm>> -> memref<32x128xf32, #tpu.memory_space<hbm>>
    tpu.enqueue_dma source(%dma_start3A_132 : memref<32x128xf32, #tpu.memory_space<hbm>>) target(%dma_start3A_130 : memref<32x128xf32, #tpu.memory_space<vmem>>) target_semaphore(%arg10 : memref<!tpu.dma_semaphore, #tpu.memory_space<semaphore_mem>>)
    %slice3A_133 = vector.extract_strided_slice %mul3A_17 {offsets = [7], sizes = [1], strides = [1]} : vector<16xi32> to vector<1xi32>
    %squeeze3A_134 = vector.extract %slice3A_133[0] : i32 from vector<1xi32>
    %multiple_of3A_135 = tpu.assume_multiple %squeeze3A_134, 128 : i32
    %dma_start3A_136 = arith.constant 0 : i32
    %dma_start3A_137 = arith.constant 7 : i32
    %dma_start3A_138 = arith.constant 0 : i32
    %dma_start3A_139 = arith.constant 0 : i32
    %dma_start3A_140 = tpu.memref_slice %arg8[%dma_start3A_136, %dma_start3A_137, %dma_start3A_138, %dma_start3A_139] : memref<2x8x32x128xf32, #tpu.memory_space<vmem>> -> memref<1x1x32x128xf32, #tpu.memory_space<vmem>>
    %dma_start3A_141 = tpu.memref_squeeze %dma_start3A_140 : memref<1x1x32x128xf32, #tpu.memory_space<vmem>> -> memref<32x128xf32, #tpu.memory_space<vmem>>
    %dma_start3A_142 = arith.constant 0 : i32
    %dma_start3A_143 = tpu.memref_slice %arg4[%dma_start3A_142, %multiple_of3A_135] : memref<32x1000000xf32, #tpu.memory_space<hbm>> -> memref<32x128xf32, #tpu.memory_space<hbm>>
    %dma_start3A_144 = arith.constant 0 : i32
    %dma_start3A_145 = arith.constant 0 : i32
    %dma_start3A_146 = tpu.memref_slice %arg8[%dma_start3A_136, %dma_start3A_137, %dma_start3A_144, %dma_start3A_145] : memref<2x8x32x128xf32, #tpu.memory_space<vmem>> -> memref<1x1x32x128xf32, #tpu.memory_space<vmem>>
    %dma_start3A_147 = tpu.memref_squeeze %dma_start3A_146 : memref<1x1x32x128xf32, #tpu.memory_space<vmem>> -> memref<32x128xf32, #tpu.memory_space<vmem>>
    %dma_start3A_148 = arith.constant 0 : i32
    %dma_start3A_149 = tpu.memref_slice %arg4[%dma_start3A_148, %multiple_of3A_135] : memref<32x1000000xf32, #tpu.memory_space<hbm>> -> memref<32x128xf32, #tpu.memory_space<hbm>>
    tpu.enqueue_dma source(%dma_start3A_149 : memref<32x128xf32, #tpu.memory_space<hbm>>) target(%dma_start3A_147 : memref<32x128xf32, #tpu.memory_space<vmem>>) target_semaphore(%arg10 : memref<!tpu.dma_semaphore, #tpu.memory_space<semaphore_mem>>)
    %scan3A = arith.constant 0 : i32
    %scan3A_150 = arith.constant 0 : i32
    %scan3A_151 = arith.constant 32 : i32
    %scan3A_152 = arith.addi %scan3A_150, %scan3A_151 : i32
    %scan3A_153 = arith.constant 1 : i32
    scf.for %scan3A_155 = %scan3A_150 to %scan3A_152 step %scan3A_153  : i32 {
      %mul3A_156 = arith.constant 2 : i32
      %mul3A_157 = arith.muli %scan3A_155, %mul3A_156 : i32
      %mul3A_158 = arith.constant 8 : i32
      %mul3A_159 = arith.muli %mul3A_157, %mul3A_158 : i32
      %get3A_160 = arith.index_cast %mul3A_159 : i32 to index
      %get3A_161 = tpu.vector_load %arg6[%get3A_160] {strides = array<i32>} : memref<512xi32, #tpu.memory_space<vmem>>, vector<16xi32>,
      %mul3A_162 = arith.constant 1000 : i32
      %mul3A_163 = vector.broadcast %mul3A_162 : i32 to vector<16xi32>
      %mul3A_164 = arith.muli %get3A_161, %mul3A_163 : vector<16xi32>
      %get3A_165 = arith.index_cast %mul3A_159 : i32 to index
      %get3A_166 = tpu.vector_load %arg7[%get3A_165] {strides = array<i32>} : memref<512xi32, #tpu.memory_space<vmem>>, vector<16xi32>,
      %add3A_167 = arith.addi %mul3A_164, %get3A_166 : vector<16xi32>
      %shift_right_logical3A_168 = arith.constant 7 : i32
      %shift_right_logical3A_169 = vector.broadcast %shift_right_logical3A_168 : i32 to vector<16xi32>
      %shift_right_logical3A_170 = arith.shrui %add3A_167, %shift_right_logical3A_169 : vector<16xi32>
      %mul3A_171 = arith.constant 128 : i32
      %mul3A_172 = vector.broadcast %mul3A_171 : i32 to vector<16xi32>
      %mul3A_173 = arith.muli %shift_right_logical3A_170, %mul3A_172 : vector<16xi32>
      %and3A = arith.constant 127 : i32
      %and3A_174 = vector.broadcast %and3A : i32 to vector<16xi32>
      %and3A_175 = arith.andi %add3A_167, %and3A_174 : vector<16xi32>
      %slice3A_176 = vector.extract_strided_slice %mul3A_173 {offsets = [8], sizes = [1], strides = [1]} : vector<16xi32> to vector<1xi32>
      %squeeze3A_177 = vector.extract %slice3A_176[0] : i32 from vector<1xi32>
      %multiple_of3A_178 = tpu.assume_multiple %squeeze3A_177, 128 : i32
      %dma_start3A_179 = arith.constant 1 : i32
      %dma_start3A_180 = arith.constant 0 : i32
      %dma_start3A_181 = arith.constant 0 : i32
      %dma_start3A_182 = arith.constant 0 : i32
      %dma_start3A_183 = tpu.memref_slice %arg8[%dma_start3A_179, %dma_start3A_180, %dma_start3A_181, %dma_start3A_182] : memref<2x8x32x128xf32, #tpu.memory_space<vmem>> -> memref<1x1x32x128xf32, #tpu.memory_space<vmem>>
      %dma_start3A_184 = tpu.memref_squeeze %dma_start3A_183 : memref<1x1x32x128xf32, #tpu.memory_space<vmem>> -> memref<32x128xf32, #tpu.memory_space<vmem>>
      %dma_start3A_185 = arith.constant 0 : i32
      %dma_start3A_186 = tpu.memref_slice %arg4[%dma_start3A_185, %multiple_of3A_178] : memref<32x1000000xf32, #tpu.memory_space<hbm>> -> memref<32x128xf32, #tpu.memory_space<hbm>>
      %dma_start3A_187 = arith.constant 0 : i32
      %dma_start3A_188 = arith.constant 0 : i32
      %dma_start3A_189 = tpu.memref_slice %arg8[%dma_start3A_179, %dma_start3A_180, %dma_start3A_187, %dma_start3A_188] : memref<2x8x32x128xf32, #tpu.memory_space<vmem>> -> memref<1x1x32x128xf32, #tpu.memory_space<vmem>>
      %dma_start3A_190 = tpu.memref_squeeze %dma_start3A_189 : memref<1x1x32x128xf32, #tpu.memory_space<vmem>> -> memref<32x128xf32, #tpu.memory_space<vmem>>
      %dma_start3A_191 = arith.constant 0 : i32
      %dma_start3A_192 = tpu.memref_slice %arg4[%dma_start3A_191, %multiple_of3A_178] : memref<32x1000000xf32, #tpu.memory_space<hbm>> -> memref<32x128xf32, #tpu.memory_space<hbm>>
      tpu.enqueue_dma source(%dma_start3A_192 : memref<32x128xf32, #tpu.memory_space<hbm>>) target(%dma_start3A_190 : memref<32x128xf32, #tpu.memory_space<vmem>>) target_semaphore(%arg11 : memref<!tpu.dma_semaphore, #tpu.memory_space<semaphore_mem>>)
      %slice3A_193 = vector.extract_strided_slice %mul3A_173 {offsets = [9], sizes = [1], strides = [1]} : vector<16xi32> to vector<1xi32>
      %squeeze3A_194 = vector.extract %slice3A_193[0] : i32 from vector<1xi32>
      %multiple_of3A_195 = tpu.assume_multiple %squeeze3A_194, 128 : i32
      %dma_start3A_196 = arith.constant 1 : i32
      %dma_start3A_197 = arith.constant 1 : i32
      %dma_start3A_198 = arith.constant 0 : i32
      %dma_start3A_199 = arith.constant 0 : i32
      %dma_start3A_200 = tpu.memref_slice %arg8[%dma_start3A_196, %dma_start3A_197, %dma_start3A_198, %dma_start3A_199] : memref<2x8x32x128xf32, #tpu.memory_space<vmem>> -> memref<1x1x32x128xf32, #tpu.memory_space<vmem>>
      %dma_start3A_201 = tpu.memref_squeeze %dma_start3A_200 : memref<1x1x32x128xf32, #tpu.memory_space<vmem>> -> memref<32x128xf32, #tpu.memory_space<vmem>>
      %dma_start3A_202 = arith.constant 0 : i32
      %dma_start3A_203 = tpu.memref_slice %arg4[%dma_start3A_202, %multiple_of3A_195] : memref<32x1000000xf32, #tpu.memory_space<hbm>> -> memref<32x128xf32, #tpu.memory_space<hbm>>
      %dma_start3A_204 = arith.constant 0 : i32
      %dma_start3A_205 = arith.constant 0 : i32
      %dma_start3A_206 = tpu.memref_slice %arg8[%dma_start3A_196, %dma_start3A_197, %dma_start3A_204, %dma_start3A_205] : memref<2x8x32x128xf32, #tpu.memory_space<vmem>> -> memref<1x1x32x128xf32, #tpu.memory_space<vmem>>
      %dma_start3A_207 = tpu.memref_squeeze %dma_start3A_206 : memref<1x1x32x128xf32, #tpu.memory_space<vmem>> -> memref<32x128xf32, #tpu.memory_space<vmem>>
      %dma_start3A_208 = arith.constant 0 : i32
      %dma_start3A_209 = tpu.memref_slice %arg4[%dma_start3A_208, %multiple_of3A_195] : memref<32x1000000xf32, #tpu.memory_space<hbm>> -> memref<32x128xf32, #tpu.memory_space<hbm>>
      tpu.enqueue_dma source(%dma_start3A_209 : memref<32x128xf32, #tpu.memory_space<hbm>>) target(%dma_start3A_207 : memref<32x128xf32, #tpu.memory_space<vmem>>) target_semaphore(%arg11 : memref<!tpu.dma_semaphore, #tpu.memory_space<semaphore_mem>>)
      %slice3A_210 = vector.extract_strided_slice %mul3A_173 {offsets = [10], sizes = [1], strides = [1]} : vector<16xi32> to vector<1xi32>
      %squeeze3A_211 = vector.extract %slice3A_210[0] : i32 from vector<1xi32>
      %multiple_of3A_212 = tpu.assume_multiple %squeeze3A_211, 128 : i32
      %dma_start3A_213 = arith.constant 1 : i32
      %dma_start3A_214 = arith.constant 2 : i32
      %dma_start3A_215 = arith.constant 0 : i32
      %dma_start3A_216 = arith.constant 0 : i32
      %dma_start3A_217 = tpu.memref_slice %arg8[%dma_start3A_213, %dma_start3A_214, %dma_start3A_215, %dma_start3A_216] : memref<2x8x32x128xf32, #tpu.memory_space<vmem>> -> memref<1x1x32x128xf32, #tpu.memory_space<vmem>>
      %dma_start3A_218 = tpu.memref_squeeze %dma_start3A_217 : memref<1x1x32x128xf32, #tpu.memory_space<vmem>> -> memref<32x128xf32, #tpu.memory_space<vmem>>
      %dma_start3A_219 = arith.constant 0 : i32
      %dma_start3A_220 = tpu.memref_slice %arg4[%dma_start3A_219, %multiple_of3A_212] : memref<32x1000000xf32, #tpu.memory_space<hbm>> -> memref<32x128xf32, #tpu.memory_space<hbm>>
      %dma_start3A_221 = arith.constant 0 : i32
      %dma_start3A_222 = arith.constant 0 : i32
      %dma_start3A_223 = tpu.memref_slice %arg8[%dma_start3A_213, %dma_start3A_214, %dma_start3A_221, %dma_start3A_222] : memref<2x8x32x128xf32, #tpu.memory_space<vmem>> -> memref<1x1x32x128xf32, #tpu.memory_space<vmem>>
      %dma_start3A_224 = tpu.memref_squeeze %dma_start3A_223 : memref<1x1x32x128xf32, #tpu.memory_space<vmem>> -> memref<32x128xf32, #tpu.memory_space<vmem>>
      %dma_start3A_225 = arith.constant 0 : i32
      %dma_start3A_226 = tpu.memref_slice %arg4[%dma_start3A_225, %multiple_of3A_212] : memref<32x1000000xf32, #tpu.memory_space<hbm>> -> memref<32x128xf32, #tpu.memory_space<hbm>>
      tpu.enqueue_dma source(%dma_start3A_226 : memref<32x128xf32, #tpu.memory_space<hbm>>) target(%dma_start3A_224 : memref<32x128xf32, #tpu.memory_space<vmem>>) target_semaphore(%arg11 : memref<!tpu.dma_semaphore, #tpu.memory_space<semaphore_mem>>)
      %slice3A_227 = vector.extract_strided_slice %mul3A_173 {offsets = [11], sizes = [1], strides = [1]} : vector<16xi32> to vector<1xi32>
      %squeeze3A_228 = vector.extract %slice3A_227[0] : i32 from vector<1xi32>
      %multiple_of3A_229 = tpu.assume_multiple %squeeze3A_228, 128 : i32
      %dma_start3A_230 = arith.constant 1 : i32
      %dma_start3A_231 = arith.constant 3 : i32
      %dma_start3A_232 = arith.constant 0 : i32
      %dma_start3A_233 = arith.constant 0 : i32
      %dma_start3A_234 = tpu.memref_slice %arg8[%dma_start3A_230, %dma_start3A_231, %dma_start3A_232, %dma_start3A_233] : memref<2x8x32x128xf32, #tpu.memory_space<vmem>> -> memref<1x1x32x128xf32, #tpu.memory_space<vmem>>
      %dma_start3A_235 = tpu.memref_squeeze %dma_start3A_234 : memref<1x1x32x128xf32, #tpu.memory_space<vmem>> -> memref<32x128xf32, #tpu.memory_space<vmem>>
      %dma_start3A_236 = arith.constant 0 : i32
      %dma_start3A_237 = tpu.memref_slice %arg4[%dma_start3A_236, %multiple_of3A_229] : memref<32x1000000xf32, #tpu.memory_space<hbm>> -> memref<32x128xf32, #tpu.memory_space<hbm>>
      %dma_start3A_238 = arith.constant 0 : i32
      %dma_start3A_239 = arith.constant 0 : i32
      %dma_start3A_240 = tpu.memref_slice %arg8[%dma_start3A_230, %dma_start3A_231, %dma_start3A_238, %dma_start3A_239] : memref<2x8x32x128xf32, #tpu.memory_space<vmem>> -> memref<1x1x32x128xf32, #tpu.memory_space<vmem>>
      %dma_start3A_241 = tpu.memref_squeeze %dma_start3A_240 : memref<1x1x32x128xf32, #tpu.memory_space<vmem>> -> memref<32x128xf32, #tpu.memory_space<vmem>>
      %dma_start3A_242 = arith.constant 0 : i32
      %dma_start3A_243 = tpu.memref_slice %arg4[%dma_start3A_242, %multiple_of3A_229] : memref<32x1000000xf32, #tpu.memory_space<hbm>> -> memref<32x128xf32, #tpu.memory_space<hbm>>
      tpu.enqueue_dma source(%dma_start3A_243 : memref<32x128xf32, #tpu.memory_space<hbm>>) target(%dma_start3A_241 : memref<32x128xf32, #tpu.memory_space<vmem>>) target_semaphore(%arg11 : memref<!tpu.dma_semaphore, #tpu.memory_space<semaphore_mem>>)
      %slice3A_244 = vector.extract_strided_slice %mul3A_173 {offsets = [12], sizes = [1], strides = [1]} : vector<16xi32> to vector<1xi32>
      %squeeze3A_245 = vector.extract %slice3A_244[0] : i32 from vector<1xi32>
      %multiple_of3A_246 = tpu.assume_multiple %squeeze3A_245, 128 : i32
      %dma_start3A_247 = arith.constant 1 : i32
      %dma_start3A_248 = arith.constant 4 : i32
      %dma_start3A_249 = arith.constant 0 : i32
      %dma_start3A_250 = arith.constant 0 : i32
      %dma_start3A_251 = tpu.memref_slice %arg8[%dma_start3A_247, %dma_start3A_248, %dma_start3A_249, %dma_start3A_250] : memref<2x8x32x128xf32, #tpu.memory_space<vmem>> -> memref<1x1x32x128xf32, #tpu.memory_space<vmem>>
      %dma_start3A_252 = tpu.memref_squeeze %dma_start3A_251 : memref<1x1x32x128xf32, #tpu.memory_space<vmem>> -> memref<32x128xf32, #tpu.memory_space<vmem>>
      %dma_start3A_253 = arith.constant 0 : i32
      %dma_start3A_254 = tpu.memref_slice %arg4[%dma_start3A_253, %multiple_of3A_246] : memref<32x1000000xf32, #tpu.memory_space<hbm>> -> memref<32x128xf32, #tpu.memory_space<hbm>>
      %dma_start3A_255 = arith.constant 0 : i32
      %dma_start3A_256 = arith.constant 0 : i32
      %dma_start3A_257 = tpu.memref_slice %arg8[%dma_start3A_247, %dma_start3A_248, %dma_start3A_255, %dma_start3A_256] : memref<2x8x32x128xf32, #tpu.memory_space<vmem>> -> memref<1x1x32x128xf32, #tpu.memory_space<vmem>>
      %dma_start3A_258 = tpu.memref_squeeze %dma_start3A_257 : memref<1x1x32x128xf32, #tpu.memory_space<vmem>> -> memref<32x128xf32, #tpu.memory_space<vmem>>
      %dma_start3A_259 = arith.constant 0 : i32
      %dma_start3A_260 = tpu.memref_slice %arg4[%dma_start3A_259, %multiple_of3A_246] : memref<32x1000000xf32, #tpu.memory_space<hbm>> -> memref<32x128xf32, #tpu.memory_space<hbm>>
      tpu.enqueue_dma source(%dma_start3A_260 : memref<32x128xf32, #tpu.memory_space<hbm>>) target(%dma_start3A_258 : memref<32x128xf32, #tpu.memory_space<vmem>>) target_semaphore(%arg11 : memref<!tpu.dma_semaphore, #tpu.memory_space<semaphore_mem>>)
      %slice3A_261 = vector.extract_strided_slice %mul3A_173 {offsets = [13], sizes = [1], strides = [1]} : vector<16xi32> to vector<1xi32>
      %squeeze3A_262 = vector.extract %slice3A_261[0] : i32 from vector<1xi32>
      %multiple_of3A_263 = tpu.assume_multiple %squeeze3A_262, 128 : i32
      %dma_start3A_264 = arith.constant 1 : i32
      %dma_start3A_265 = arith.constant 5 : i32
      %dma_start3A_266 = arith.constant 0 : i32
      %dma_start3A_267 = arith.constant 0 : i32
      %dma_start3A_268 = tpu.memref_slice %arg8[%dma_start3A_264, %dma_start3A_265, %dma_start3A_266, %dma_start3A_267] : memref<2x8x32x128xf32, #tpu.memory_space<vmem>> -> memref<1x1x32x128xf32, #tpu.memory_space<vmem>>
      %dma_start3A_269 = tpu.memref_squeeze %dma_start3A_268 : memref<1x1x32x128xf32, #tpu.memory_space<vmem>> -> memref<32x128xf32, #tpu.memory_space<vmem>>
      %dma_start3A_270 = arith.constant 0 : i32
      %dma_start3A_271 = tpu.memref_slice %arg4[%dma_start3A_270, %multiple_of3A_263] : memref<32x1000000xf32, #tpu.memory_space<hbm>> -> memref<32x128xf32, #tpu.memory_space<hbm>>
      %dma_start3A_272 = arith.constant 0 : i32
      %dma_start3A_273 = arith.constant 0 : i32
      %dma_start3A_274 = tpu.memref_slice %arg8[%dma_start3A_264, %dma_start3A_265, %dma_start3A_272, %dma_start3A_273] : memref<2x8x32x128xf32, #tpu.memory_space<vmem>> -> memref<1x1x32x128xf32, #tpu.memory_space<vmem>>
      %dma_start3A_275 = tpu.memref_squeeze %dma_start3A_274 : memref<1x1x32x128xf32, #tpu.memory_space<vmem>> -> memref<32x128xf32, #tpu.memory_space<vmem>>
      %dma_start3A_276 = arith.constant 0 : i32
      %dma_start3A_277 = tpu.memref_slice %arg4[%dma_start3A_276, %multiple_of3A_263] : memref<32x1000000xf32, #tpu.memory_space<hbm>> -> memref<32x128xf32, #tpu.memory_space<hbm>>
      tpu.enqueue_dma source(%dma_start3A_277 : memref<32x128xf32, #tpu.memory_space<hbm>>) target(%dma_start3A_275 : memref<32x128xf32, #tpu.memory_space<vmem>>) target_semaphore(%arg11 : memref<!tpu.dma_semaphore, #tpu.memory_space<semaphore_mem>>)
      %slice3A_278 = vector.extract_strided_slice %mul3A_173 {offsets = [14], sizes = [1], strides = [1]} : vector<16xi32> to vector<1xi32>
      %squeeze3A_279 = vector.extract %slice3A_278[0] : i32 from vector<1xi32>
      %multiple_of3A_280 = tpu.assume_multiple %squeeze3A_279, 128 : i32
      %dma_start3A_281 = arith.constant 1 : i32
      %dma_start3A_282 = arith.constant 6 : i32
      %dma_start3A_283 = arith.constant 0 : i32
      %dma_start3A_284 = arith.constant 0 : i32
      %dma_start3A_285 = tpu.memref_slice %arg8[%dma_start3A_281, %dma_start3A_282, %dma_start3A_283, %dma_start3A_284] : memref<2x8x32x128xf32, #tpu.memory_space<vmem>> -> memref<1x1x32x128xf32, #tpu.memory_space<vmem>>
      %dma_start3A_286 = tpu.memref_squeeze %dma_start3A_285 : memref<1x1x32x128xf32, #tpu.memory_space<vmem>> -> memref<32x128xf32, #tpu.memory_space<vmem>>
      %dma_start3A_287 = arith.constant 0 : i32
      %dma_start3A_288 = tpu.memref_slice %arg4[%dma_start3A_287, %multiple_of3A_280] : memref<32x1000000xf32, #tpu.memory_space<hbm>> -> memref<32x128xf32, #tpu.memory_space<hbm>>
      %dma_start3A_289 = arith.constant 0 : i32
      %dma_start3A_290 = arith.constant 0 : i32
      %dma_start3A_291 = tpu.memref_slice %arg8[%dma_start3A_281, %dma_start3A_282, %dma_start3A_289, %dma_start3A_290] : memref<2x8x32x128xf32, #tpu.memory_space<vmem>> -> memref<1x1x32x128xf32, #tpu.memory_space<vmem>>
      %dma_start3A_292 = tpu.memref_squeeze %dma_start3A_291 : memref<1x1x32x128xf32, #tpu.memory_space<vmem>> -> memref<32x128xf32, #tpu.memory_space<vmem>>
      %dma_start3A_293 = arith.constant 0 : i32
      %dma_start3A_294 = tpu.memref_slice %arg4[%dma_start3A_293, %multiple_of3A_280] : memref<32x1000000xf32, #tpu.memory_space<hbm>> -> memref<32x128xf32, #tpu.memory_space<hbm>>
      tpu.enqueue_dma source(%dma_start3A_294 : memref<32x128xf32, #tpu.memory_space<hbm>>) target(%dma_start3A_292 : memref<32x128xf32, #tpu.memory_space<vmem>>) target_semaphore(%arg11 : memref<!tpu.dma_semaphore, #tpu.memory_space<semaphore_mem>>)
      %slice3A_295 = vector.extract_strided_slice %mul3A_173 {offsets = [15], sizes = [1], strides = [1]} : vector<16xi32> to vector<1xi32>
      %squeeze3A_296 = vector.extract %slice3A_295[0] : i32 from vector<1xi32>
      %multiple_of3A_297 = tpu.assume_multiple %squeeze3A_296, 128 : i32
      %dma_start3A_298 = arith.constant 1 : i32
      %dma_start3A_299 = arith.constant 7 : i32
      %dma_start3A_300 = arith.constant 0 : i32
      %dma_start3A_301 = arith.constant 0 : i32
      %dma_start3A_302 = tpu.memref_slice %arg8[%dma_start3A_298, %dma_start3A_299, %dma_start3A_300, %dma_start3A_301] : memref<2x8x32x128xf32, #tpu.memory_space<vmem>> -> memref<1x1x32x128xf32, #tpu.memory_space<vmem>>
      %dma_start3A_303 = tpu.memref_squeeze %dma_start3A_302 : memref<1x1x32x128xf32, #tpu.memory_space<vmem>> -> memref<32x128xf32, #tpu.memory_space<vmem>>
      %dma_start3A_304 = arith.constant 0 : i32
      %dma_start3A_305 = tpu.memref_slice %arg4[%dma_start3A_304, %multiple_of3A_297] : memref<32x1000000xf32, #tpu.memory_space<hbm>> -> memref<32x128xf32, #tpu.memory_space<hbm>>
      %dma_start3A_306 = arith.constant 0 : i32
      %dma_start3A_307 = arith.constant 0 : i32
      %dma_start3A_308 = tpu.memref_slice %arg8[%dma_start3A_298, %dma_start3A_299, %dma_start3A_306, %dma_start3A_307] : memref<2x8x32x128xf32, #tpu.memory_space<vmem>> -> memref<1x1x32x128xf32, #tpu.memory_space<vmem>>
      %dma_start3A_309 = tpu.memref_squeeze %dma_start3A_308 : memref<1x1x32x128xf32, #tpu.memory_space<vmem>> -> memref<32x128xf32, #tpu.memory_space<vmem>>
      %dma_start3A_310 = arith.constant 0 : i32
      %dma_start3A_311 = tpu.memref_slice %arg4[%dma_start3A_310, %multiple_of3A_297] : memref<32x1000000xf32, #tpu.memory_space<hbm>> -> memref<32x128xf32, #tpu.memory_space<hbm>>
      tpu.enqueue_dma source(%dma_start3A_311 : memref<32x128xf32, #tpu.memory_space<hbm>>) target(%dma_start3A_309 : memref<32x128xf32, #tpu.memory_space<vmem>>) target_semaphore(%arg11 : memref<!tpu.dma_semaphore, #tpu.memory_space<semaphore_mem>>)
      %dma_wait3A = arith.constant 0 : i32
      %dma_wait3A_312 = arith.constant 0 : i32
      %dma_wait3A_313 = arith.constant 0 : i32
      %dma_wait3A_314 = arith.constant 0 : i32
      %dma_wait3A_315 = tpu.memref_slice %arg8[%dma_wait3A, %dma_wait3A_312, %dma_wait3A_313, %dma_wait3A_314] : memref<2x8x32x128xf32, #tpu.memory_space<vmem>> -> memref<1x8x32x128xf32, #tpu.memory_space<vmem>>
      %dma_wait3A_316 = tpu.memref_squeeze %dma_wait3A_315 : memref<1x8x32x128xf32, #tpu.memory_space<vmem>> -> memref<8x32x128xf32, #tpu.memory_space<vmem>>
      %dma_wait3A_317 = arith.constant 0 : i32
      %dma_wait3A_318 = arith.constant 0 : i32
      %dma_wait3A_319 = tpu.memref_slice %arg4[%dma_wait3A_317, %dma_wait3A_318] : memref<32x1000000xf32, #tpu.memory_space<hbm>> -> memref<32x128xf32, #tpu.memory_space<hbm>>
      %dma_wait3A_320 = arith.constant 0 : i32
      %dma_wait3A_321 = arith.constant 0 : i32
      %dma_wait3A_322 = arith.constant 0 : i32
      %dma_wait3A_323 = tpu.memref_slice %arg8[%dma_wait3A, %dma_wait3A_320, %dma_wait3A_321, %dma_wait3A_322] : memref<2x8x32x128xf32, #tpu.memory_space<vmem>> -> memref<1x8x32x128xf32, #tpu.memory_space<vmem>>
      %dma_wait3A_324 = tpu.memref_squeeze %dma_wait3A_323 : memref<1x8x32x128xf32, #tpu.memory_space<vmem>> -> memref<8x32x128xf32, #tpu.memory_space<vmem>>
      %dma_wait3A_325 = arith.constant 0 : i32
      %dma_wait3A_326 = arith.constant 0 : i32
      %dma_wait3A_327 = tpu.memref_slice %arg4[%dma_wait3A_325, %dma_wait3A_326] : memref<32x1000000xf32, #tpu.memory_space<hbm>> -> memref<32x128xf32, #tpu.memory_space<hbm>>
      tpu.wait_dma2 semaphore(%arg10 : memref<!tpu.dma_semaphore, #tpu.memory_space<semaphore_mem>>) src(%dma_wait3A_327 : memref<32x128xf32, #tpu.memory_space<hbm>>) dst(%dma_wait3A_324 : memref<8x32x128xf32, #tpu.memory_space<vmem>>)
      %mul3A_328 = arith.constant 0 : i32
      %mul3A_329 = vector.broadcast %mul3A_328 : i32 to vector<16xi32>
      %mul3A_330 = arith.muli %iota3A, %mul3A_329 : vector<16xi32>
      %add3A_331 = arith.constant 0 : i32
      %add3A_332 = vector.broadcast %add3A_331 : i32 to vector<16xi32>
      %add3A_333 = arith.addi %mul3A_330, %add3A_332 : vector<16xi32>
      %mul3A_334 = arith.constant 0 : i32
      %mul3A_335 = vector.broadcast %mul3A_334 : i32 to vector<16xi32>
      %mul3A_336 = arith.muli %iota3A, %mul3A_335 : vector<16xi32>
      %add3A_337 = arith.constant 0 : i32
      %add3A_338 = vector.broadcast %add3A_337 : i32 to vector<16xi32>
      %add3A_339 = arith.addi %mul3A_336, %add3A_338 : vector<16xi32>
      %mul3A_340 = arith.constant 0 : i32
      %mul3A_341 = vector.broadcast %mul3A_340 : i32 to vector<16xi32>
      %mul3A_342 = arith.muli %iota3A, %mul3A_341 : vector<16xi32>
      %slice3A_343 = vector.extract_strided_slice %and3A_175 {offsets = [0], sizes = [1], strides = [1]} : vector<16xi32> to vector<1xi32>
      %squeeze3A_344 = vector.extract %slice3A_343[0] : i32 from vector<1xi32>
      %add3A_345 = vector.broadcast %squeeze3A_344 : i32 to vector<16xi32>
      %add3A_346 = arith.addi %mul3A_342, %add3A_345 : vector<16xi32>
      %mul3A_347 = arith.constant 0 : i32
      %mul3A_348 = vector.broadcast %mul3A_347 : i32 to vector<16xi32>
      %mul3A_349 = arith.muli %iota3A, %mul3A_348 : vector<16xi32>
      %add3A_350 = arith.constant 0 : i32
      %add3A_351 = arith.addi %mul3A_159, %add3A_350 : i32
      %add3A_352 = vector.broadcast %add3A_351 : i32 to vector<16xi32>
      %add3A_353 = arith.addi %mul3A_349, %add3A_352 : vector<16xi32>
      %gather3A = tpu.vector_load_idx %arg8[%add3A_333, %add3A_339, %iota3A, %add3A_346] : memref<2x8x32x128xf32, #tpu.memory_space<vmem>>[vector<16xi32>, vector<16xi32>, vector<16xi32>, vector<16xi32>], vector<16xf32>,
      tpu.vector_store_idx %arg9[%iota3A, %add3A_353], %gather3A : memref<32x512xf32, #tpu.memory_space<vmem>>[vector<16xi32>, vector<16xi32>], vector<16xf32>,
      %gather3A_354 = tpu.vector_load_idx %arg8[%add3A_333, %add3A_339, %add3A_5, %add3A_346] : memref<2x8x32x128xf32, #tpu.memory_space<vmem>>[vector<16xi32>, vector<16xi32>, vector<16xi32>, vector<16xi32>], vector<16xf32>,
      tpu.vector_store_idx %arg9[%add3A_5, %add3A_353], %gather3A_354 : memref<32x512xf32, #tpu.memory_space<vmem>>[vector<16xi32>, vector<16xi32>], vector<16xf32>,
      %mul3A_355 = arith.constant 0 : i32
      %mul3A_356 = vector.broadcast %mul3A_355 : i32 to vector<16xi32>
      %mul3A_357 = arith.muli %iota3A, %mul3A_356 : vector<16xi32>
      %add3A_358 = arith.constant 1 : i32
      %add3A_359 = vector.broadcast %add3A_358 : i32 to vector<16xi32>
      %add3A_360 = arith.addi %mul3A_357, %add3A_359 : vector<16xi32>
      %mul3A_361 = arith.constant 0 : i32
      %mul3A_362 = vector.broadcast %mul3A_361 : i32 to vector<16xi32>
      %mul3A_363 = arith.muli %iota3A, %mul3A_362 : vector<16xi32>
      %slice3A_364 = vector.extract_strided_slice %and3A_175 {offsets = [1], sizes = [1], strides = [1]} : vector<16xi32> to vector<1xi32>
      %squeeze3A_365 = vector.extract %slice3A_364[0] : i32 from vector<1xi32>
      %add3A_366 = vector.broadcast %squeeze3A_365 : i32 to vector<16xi32>
      %add3A_367 = arith.addi %mul3A_363, %add3A_366 : vector<16xi32>
      %mul3A_368 = arith.constant 0 : i32
      %mul3A_369 = vector.broadcast %mul3A_368 : i32 to vector<16xi32>
      %mul3A_370 = arith.muli %iota3A, %mul3A_369 : vector<16xi32>
      %add3A_371 = arith.constant 1 : i32
      %add3A_372 = arith.addi %mul3A_159, %add3A_371 : i32
      %add3A_373 = vector.broadcast %add3A_372 : i32 to vector<16xi32>
      %add3A_374 = arith.addi %mul3A_370, %add3A_373 : vector<16xi32>
      %gather3A_375 = tpu.vector_load_idx %arg8[%add3A_333, %add3A_360, %iota3A, %add3A_367] : memref<2x8x32x128xf32, #tpu.memory_space<vmem>>[vector<16xi32>, vector<16xi32>, vector<16xi32>, vector<16xi32>], vector<16xf32>,
      tpu.vector_store_idx %arg9[%iota3A, %add3A_374], %gather3A_375 : memref<32x512xf32, #tpu.memory_space<vmem>>[vector<16xi32>, vector<16xi32>], vector<16xf32>,
      %gather3A_376 = tpu.vector_load_idx %arg8[%add3A_333, %add3A_360, %add3A_5, %add3A_367] : memref<2x8x32x128xf32, #tpu.memory_space<vmem>>[vector<16xi32>, vector<16xi32>, vector<16xi32>, vector<16xi32>], vector<16xf32>,
      tpu.vector_store_idx %arg9[%add3A_5, %add3A_374], %gather3A_376 : memref<32x512xf32, #tpu.memory_space<vmem>>[vector<16xi32>, vector<16xi32>], vector<16xf32>,
      %mul3A_377 = arith.constant 0 : i32
      %mul3A_378 = vector.broadcast %mul3A_377 : i32 to vector<16xi32>
      %mul3A_379 = arith.muli %iota3A, %mul3A_378 : vector<16xi32>
      %add3A_380 = arith.constant 2 : i32
      %add3A_381 = vector.broadcast %add3A_380 : i32 to vector<16xi32>
      %add3A_382 = arith.addi %mul3A_379, %add3A_381 : vector<16xi32>
      %mul3A_383 = arith.constant 0 : i32
      %mul3A_384 = vector.broadcast %mul3A_383 : i32 to vector<16xi32>
      %mul3A_385 = arith.muli %iota3A, %mul3A_384 : vector<16xi32>
      %slice3A_386 = vector.extract_strided_slice %and3A_175 {offsets = [2], sizes = [1], strides = [1]} : vector<16xi32> to vector<1xi32>
      %squeeze3A_387 = vector.extract %slice3A_386[0] : i32 from vector<1xi32>
      %add3A_388 = vector.broadcast %squeeze3A_387 : i32 to vector<16xi32>
      %add3A_389 = arith.addi %mul3A_385, %add3A_388 : vector<16xi32>
      %mul3A_390 = arith.constant 0 : i32
      %mul3A_391 = vector.broadcast %mul3A_390 : i32 to vector<16xi32>
      %mul3A_392 = arith.muli %iota3A, %mul3A_391 : vector<16xi32>
      %add3A_393 = arith.constant 2 : i32
      %add3A_394 = arith.addi %mul3A_159, %add3A_393 : i32
      %add3A_395 = vector.broadcast %add3A_394 : i32 to vector<16xi32>
      %add3A_396 = arith.addi %mul3A_392, %add3A_395 : vector<16xi32>
      %gather3A_397 = tpu.vector_load_idx %arg8[%add3A_333, %add3A_382, %iota3A, %add3A_389] : memref<2x8x32x128xf32, #tpu.memory_space<vmem>>[vector<16xi32>, vector<16xi32>, vector<16xi32>, vector<16xi32>], vector<16xf32>,
      tpu.vector_store_idx %arg9[%iota3A, %add3A_396], %gather3A_397 : memref<32x512xf32, #tpu.memory_space<vmem>>[vector<16xi32>, vector<16xi32>], vector<16xf32>,
      %gather3A_398 = tpu.vector_load_idx %arg8[%add3A_333, %add3A_382, %add3A_5, %add3A_389] : memref<2x8x32x128xf32, #tpu.memory_space<vmem>>[vector<16xi32>, vector<16xi32>, vector<16xi32>, vector<16xi32>], vector<16xf32>,
      tpu.vector_store_idx %arg9[%add3A_5, %add3A_396], %gather3A_398 : memref<32x512xf32, #tpu.memory_space<vmem>>[vector<16xi32>, vector<16xi32>], vector<16xf32>,
      %mul3A_399 = arith.constant 0 : i32
      %mul3A_400 = vector.broadcast %mul3A_399 : i32 to vector<16xi32>
      %mul3A_401 = arith.muli %iota3A, %mul3A_400 : vector<16xi32>
      %add3A_402 = arith.constant 3 : i32
      %add3A_403 = vector.broadcast %add3A_402 : i32 to vector<16xi32>
      %add3A_404 = arith.addi %mul3A_401, %add3A_403 : vector<16xi32>
      %mul3A_405 = arith.constant 0 : i32
      %mul3A_406 = vector.broadcast %mul3A_405 : i32 to vector<16xi32>
      %mul3A_407 = arith.muli %iota3A, %mul3A_406 : vector<16xi32>
      %slice3A_408 = vector.extract_strided_slice %and3A_175 {offsets = [3], sizes = [1], strides = [1]} : vector<16xi32> to vector<1xi32>
      %squeeze3A_409 = vector.extract %slice3A_408[0] : i32 from vector<1xi32>
      %add3A_410 = vector.broadcast %squeeze3A_409 : i32 to vector<16xi32>
      %add3A_411 = arith.addi %mul3A_407, %add3A_410 : vector<16xi32>
      %mul3A_412 = arith.constant 0 : i32
      %mul3A_413 = vector.broadcast %mul3A_412 : i32 to vector<16xi32>
      %mul3A_414 = arith.muli %iota3A, %mul3A_413 : vector<16xi32>
      %add3A_415 = arith.constant 3 : i32
      %add3A_416 = arith.addi %mul3A_159, %add3A_415 : i32
      %add3A_417 = vector.broadcast %add3A_416 : i32 to vector<16xi32>
      %add3A_418 = arith.addi %mul3A_414, %add3A_417 : vector<16xi32>
      %gather3A_419 = tpu.vector_load_idx %arg8[%add3A_333, %add3A_404, %iota3A, %add3A_411] : memref<2x8x32x128xf32, #tpu.memory_space<vmem>>[vector<16xi32>, vector<16xi32>, vector<16xi32>, vector<16xi32>], vector<16xf32>,
      tpu.vector_store_idx %arg9[%iota3A, %add3A_418], %gather3A_419 : memref<32x512xf32, #tpu.memory_space<vmem>>[vector<16xi32>, vector<16xi32>], vector<16xf32>,
      %gather3A_420 = tpu.vector_load_idx %arg8[%add3A_333, %add3A_404, %add3A_5, %add3A_411] : memref<2x8x32x128xf32, #tpu.memory_space<vmem>>[vector<16xi32>, vector<16xi32>, vector<16xi32>, vector<16xi32>], vector<16xf32>,
      tpu.vector_store_idx %arg9[%add3A_5, %add3A_418], %gather3A_420 : memref<32x512xf32, #tpu.memory_space<vmem>>[vector<16xi32>, vector<16xi32>], vector<16xf32>,
      %mul3A_421 = arith.constant 0 : i32
      %mul3A_422 = vector.broadcast %mul3A_421 : i32 to vector<16xi32>
      %mul3A_423 = arith.muli %iota3A, %mul3A_422 : vector<16xi32>
      %add3A_424 = arith.constant 4 : i32
      %add3A_425 = vector.broadcast %add3A_424 : i32 to vector<16xi32>
      %add3A_426 = arith.addi %mul3A_423, %add3A_425 : vector<16xi32>
      %mul3A_427 = arith.constant 0 : i32
      %mul3A_428 = vector.broadcast %mul3A_427 : i32 to vector<16xi32>
      %mul3A_429 = arith.muli %iota3A, %mul3A_428 : vector<16xi32>
      %slice3A_430 = vector.extract_strided_slice %and3A_175 {offsets = [4], sizes = [1], strides = [1]} : vector<16xi32> to vector<1xi32>
      %squeeze3A_431 = vector.extract %slice3A_430[0] : i32 from vector<1xi32>
      %add3A_432 = vector.broadcast %squeeze3A_431 : i32 to vector<16xi32>
      %add3A_433 = arith.addi %mul3A_429, %add3A_432 : vector<16xi32>
      %mul3A_434 = arith.constant 0 : i32
      %mul3A_435 = vector.broadcast %mul3A_434 : i32 to vector<16xi32>
      %mul3A_436 = arith.muli %iota3A, %mul3A_435 : vector<16xi32>
      %add3A_437 = arith.constant 4 : i32
      %add3A_438 = arith.addi %mul3A_159, %add3A_437 : i32
      %add3A_439 = vector.broadcast %add3A_438 : i32 to vector<16xi32>
      %add3A_440 = arith.addi %mul3A_436, %add3A_439 : vector<16xi32>
      %gather3A_441 = tpu.vector_load_idx %arg8[%add3A_333, %add3A_426, %iota3A, %add3A_433] : memref<2x8x32x128xf32, #tpu.memory_space<vmem>>[vector<16xi32>, vector<16xi32>, vector<16xi32>, vector<16xi32>], vector<16xf32>,
      tpu.vector_store_idx %arg9[%iota3A, %add3A_440], %gather3A_441 : memref<32x512xf32, #tpu.memory_space<vmem>>[vector<16xi32>, vector<16xi32>], vector<16xf32>,
      %gather3A_442 = tpu.vector_load_idx %arg8[%add3A_333, %add3A_426, %add3A_5, %add3A_433] : memref<2x8x32x128xf32, #tpu.memory_space<vmem>>[vector<16xi32>, vector<16xi32>, vector<16xi32>, vector<16xi32>], vector<16xf32>,
      tpu.vector_store_idx %arg9[%add3A_5, %add3A_440], %gather3A_442 : memref<32x512xf32, #tpu.memory_space<vmem>>[vector<16xi32>, vector<16xi32>], vector<16xf32>,
      %mul3A_443 = arith.constant 0 : i32
      %mul3A_444 = vector.broadcast %mul3A_443 : i32 to vector<16xi32>
      %mul3A_445 = arith.muli %iota3A, %mul3A_444 : vector<16xi32>
      %add3A_446 = arith.constant 5 : i32
      %add3A_447 = vector.broadcast %add3A_446 : i32 to vector<16xi32>
      %add3A_448 = arith.addi %mul3A_445, %add3A_447 : vector<16xi32>
      %mul3A_449 = arith.constant 0 : i32
      %mul3A_450 = vector.broadcast %mul3A_449 : i32 to vector<16xi32>
      %mul3A_451 = arith.muli %iota3A, %mul3A_450 : vector<16xi32>
      %slice3A_452 = vector.extract_strided_slice %and3A_175 {offsets = [5], sizes = [1], strides = [1]} : vector<16xi32> to vector<1xi32>
      %squeeze3A_453 = vector.extract %slice3A_452[0] : i32 from vector<1xi32>
      %add3A_454 = vector.broadcast %squeeze3A_453 : i32 to vector<16xi32>
      %add3A_455 = arith.addi %mul3A_451, %add3A_454 : vector<16xi32>
      %mul3A_456 = arith.constant 0 : i32
      %mul3A_457 = vector.broadcast %mul3A_456 : i32 to vector<16xi32>
      %mul3A_458 = arith.muli %iota3A, %mul3A_457 : vector<16xi32>
      %add3A_459 = arith.constant 5 : i32
      %add3A_460 = arith.addi %mul3A_159, %add3A_459 : i32
      %add3A_461 = vector.broadcast %add3A_460 : i32 to vector<16xi32>
      %add3A_462 = arith.addi %mul3A_458, %add3A_461 : vector<16xi32>
      %gather3A_463 = tpu.vector_load_idx %arg8[%add3A_333, %add3A_448, %iota3A, %add3A_455] : memref<2x8x32x128xf32, #tpu.memory_space<vmem>>[vector<16xi32>, vector<16xi32>, vector<16xi32>, vector<16xi32>], vector<16xf32>,
      tpu.vector_store_idx %arg9[%iota3A, %add3A_462], %gather3A_463 : memref<32x512xf32, #tpu.memory_space<vmem>>[vector<16xi32>, vector<16xi32>], vector<16xf32>,
      %gather3A_464 = tpu.vector_load_idx %arg8[%add3A_333, %add3A_448, %add3A_5, %add3A_455] : memref<2x8x32x128xf32, #tpu.memory_space<vmem>>[vector<16xi32>, vector<16xi32>, vector<16xi32>, vector<16xi32>], vector<16xf32>,
      tpu.vector_store_idx %arg9[%add3A_5, %add3A_462], %gather3A_464 : memref<32x512xf32, #tpu.memory_space<vmem>>[vector<16xi32>, vector<16xi32>], vector<16xf32>,
      %mul3A_465 = arith.constant 0 : i32
      %mul3A_466 = vector.broadcast %mul3A_465 : i32 to vector<16xi32>
      %mul3A_467 = arith.muli %iota3A, %mul3A_466 : vector<16xi32>
      %add3A_468 = arith.constant 6 : i32
      %add3A_469 = vector.broadcast %add3A_468 : i32 to vector<16xi32>
      %add3A_470 = arith.addi %mul3A_467, %add3A_469 : vector<16xi32>
      %mul3A_471 = arith.constant 0 : i32
      %mul3A_472 = vector.broadcast %mul3A_471 : i32 to vector<16xi32>
      %mul3A_473 = arith.muli %iota3A, %mul3A_472 : vector<16xi32>
      %slice3A_474 = vector.extract_strided_slice %and3A_175 {offsets = [6], sizes = [1], strides = [1]} : vector<16xi32> to vector<1xi32>
      %squeeze3A_475 = vector.extract %slice3A_474[0] : i32 from vector<1xi32>
      %add3A_476 = vector.broadcast %squeeze3A_475 : i32 to vector<16xi32>
      %add3A_477 = arith.addi %mul3A_473, %add3A_476 : vector<16xi32>
      %mul3A_478 = arith.constant 0 : i32
      %mul3A_479 = vector.broadcast %mul3A_478 : i32 to vector<16xi32>
      %mul3A_480 = arith.muli %iota3A, %mul3A_479 : vector<16xi32>
      %add3A_481 = arith.constant 6 : i32
      %add3A_482 = arith.addi %mul3A_159, %add3A_481 : i32
      %add3A_483 = vector.broadcast %add3A_482 : i32 to vector<16xi32>
      %add3A_484 = arith.addi %mul3A_480, %add3A_483 : vector<16xi32>
      %gather3A_485 = tpu.vector_load_idx %arg8[%add3A_333, %add3A_470, %iota3A, %add3A_477] : memref<2x8x32x128xf32, #tpu.memory_space<vmem>>[vector<16xi32>, vector<16xi32>, vector<16xi32>, vector<16xi32>], vector<16xf32>,
      tpu.vector_store_idx %arg9[%iota3A, %add3A_484], %gather3A_485 : memref<32x512xf32, #tpu.memory_space<vmem>>[vector<16xi32>, vector<16xi32>], vector<16xf32>,
      %gather3A_486 = tpu.vector_load_idx %arg8[%add3A_333, %add3A_470, %add3A_5, %add3A_477] : memref<2x8x32x128xf32, #tpu.memory_space<vmem>>[vector<16xi32>, vector<16xi32>, vector<16xi32>, vector<16xi32>], vector<16xf32>,
      tpu.vector_store_idx %arg9[%add3A_5, %add3A_484], %gather3A_486 : memref<32x512xf32, #tpu.memory_space<vmem>>[vector<16xi32>, vector<16xi32>], vector<16xf32>,
      %mul3A_487 = arith.constant 0 : i32
      %mul3A_488 = vector.broadcast %mul3A_487 : i32 to vector<16xi32>
      %mul3A_489 = arith.muli %iota3A, %mul3A_488 : vector<16xi32>
      %add3A_490 = arith.constant 7 : i32
      %add3A_491 = vector.broadcast %add3A_490 : i32 to vector<16xi32>
      %add3A_492 = arith.addi %mul3A_489, %add3A_491 : vector<16xi32>
      %mul3A_493 = arith.constant 0 : i32
      %mul3A_494 = vector.broadcast %mul3A_493 : i32 to vector<16xi32>
      %mul3A_495 = arith.muli %iota3A, %mul3A_494 : vector<16xi32>
      %slice3A_496 = vector.extract_strided_slice %and3A_175 {offsets = [7], sizes = [1], strides = [1]} : vector<16xi32> to vector<1xi32>
      %squeeze3A_497 = vector.extract %slice3A_496[0] : i32 from vector<1xi32>
      %add3A_498 = vector.broadcast %squeeze3A_497 : i32 to vector<16xi32>
      %add3A_499 = arith.addi %mul3A_495, %add3A_498 : vector<16xi32>
      %mul3A_500 = arith.constant 0 : i32
      %mul3A_501 = vector.broadcast %mul3A_500 : i32 to vector<16xi32>
      %mul3A_502 = arith.muli %iota3A, %mul3A_501 : vector<16xi32>
      %add3A_503 = arith.constant 7 : i32
      %add3A_504 = arith.addi %mul3A_159, %add3A_503 : i32
      %add3A_505 = vector.broadcast %add3A_504 : i32 to vector<16xi32>
      %add3A_506 = arith.addi %mul3A_502, %add3A_505 : vector<16xi32>
      %gather3A_507 = tpu.vector_load_idx %arg8[%add3A_333, %add3A_492, %iota3A, %add3A_499] : memref<2x8x32x128xf32, #tpu.memory_space<vmem>>[vector<16xi32>, vector<16xi32>, vector<16xi32>, vector<16xi32>], vector<16xf32>,
      tpu.vector_store_idx %arg9[%iota3A, %add3A_506], %gather3A_507 : memref<32x512xf32, #tpu.memory_space<vmem>>[vector<16xi32>, vector<16xi32>], vector<16xf32>,
      %gather3A_508 = tpu.vector_load_idx %arg8[%add3A_333, %add3A_492, %add3A_5, %add3A_499] : memref<2x8x32x128xf32, #tpu.memory_space<vmem>>[vector<16xi32>, vector<16xi32>, vector<16xi32>, vector<16xi32>], vector<16xf32>,
      tpu.vector_store_idx %arg9[%add3A_5, %add3A_506], %gather3A_508 : memref<32x512xf32, #tpu.memory_space<vmem>>[vector<16xi32>, vector<16xi32>], vector<16xf32>,
      %add3A_509 = arith.constant 1 : i32
      %add3A_510 = arith.addi %scan3A_155, %add3A_509 : i32
      %lt3A = arith.constant 32 : i32
      %lt3A_511 = arith.cmpi slt, %add3A_510, %lt3A : i32
      %convert_element_type3A = arith.extui %lt3A_511 : i1 to i32
      %cond3A = arith.constant 0 : i32
      %cond3A_512 = arith.cmpi ne, %convert_element_type3A, %cond3A : i32
      scf.if %cond3A_512 {
        %add3A_714 = arith.constant 16 : i32
        %add3A_715 = arith.addi %mul3A_159, %add3A_714 : i32
        %get3A_716 = arith.index_cast %add3A_715 : i32 to index
        %get3A_717 = tpu.vector_load %arg6[%get3A_716] {strides = array<i32>} : memref<512xi32, #tpu.memory_space<vmem>>, vector<16xi32>,
        %mul3A_718 = arith.constant 1000 : i32
        %mul3A_719 = vector.broadcast %mul3A_718 : i32 to vector<16xi32>
        %mul3A_720 = arith.muli %get3A_717, %mul3A_719 : vector<16xi32>
        %get3A_721 = arith.index_cast %add3A_715 : i32 to index
        %get3A_722 = tpu.vector_load %arg7[%get3A_721] {strides = array<i32>} : memref<512xi32, #tpu.memory_space<vmem>>, vector<16xi32>,
        %add3A_723 = arith.addi %mul3A_720, %get3A_722 : vector<16xi32>
        %shift_right_logical3A_724 = arith.constant 7 : i32
        %shift_right_logical3A_725 = vector.broadcast %shift_right_logical3A_724 : i32 to vector<16xi32>
        %shift_right_logical3A_726 = arith.shrui %add3A_723, %shift_right_logical3A_725 : vector<16xi32>
        %mul3A_727 = arith.constant 128 : i32
        %mul3A_728 = vector.broadcast %mul3A_727 : i32 to vector<16xi32>
        %mul3A_729 = arith.muli %shift_right_logical3A_726, %mul3A_728 : vector<16xi32>
        %slice3A_730 = vector.extract_strided_slice %mul3A_729 {offsets = [0], sizes = [1], strides = [1]} : vector<16xi32> to vector<1xi32>
        %squeeze3A_731 = vector.extract %slice3A_730[0] : i32 from vector<1xi32>
        %multiple_of3A_732 = tpu.assume_multiple %squeeze3A_731, 128 : i32
        %dma_start3A_733 = arith.constant 0 : i32
        %dma_start3A_734 = arith.constant 0 : i32
        %dma_start3A_735 = arith.constant 0 : i32
        %dma_start3A_736 = arith.constant 0 : i32
        %dma_start3A_737 = tpu.memref_slice %arg8[%dma_start3A_733, %dma_start3A_734, %dma_start3A_735, %dma_start3A_736] : memref<2x8x32x128xf32, #tpu.memory_space<vmem>> -> memref<1x1x32x128xf32, #tpu.memory_space<vmem>>
        %dma_start3A_738 = tpu.memref_squeeze %dma_start3A_737 : memref<1x1x32x128xf32, #tpu.memory_space<vmem>> -> memref<32x128xf32, #tpu.memory_space<vmem>>
        %dma_start3A_739 = arith.constant 0 : i32
        %dma_start3A_740 = tpu.memref_slice %arg4[%dma_start3A_739, %multiple_of3A_732] : memref<32x1000000xf32, #tpu.memory_space<hbm>> -> memref<32x128xf32, #tpu.memory_space<hbm>>
        %dma_start3A_741 = arith.constant 0 : i32
        %dma_start3A_742 = arith.constant 0 : i32
        %dma_start3A_743 = tpu.memref_slice %arg8[%dma_start3A_733, %dma_start3A_734, %dma_start3A_741, %dma_start3A_742] : memref<2x8x32x128xf32, #tpu.memory_space<vmem>> -> memref<1x1x32x128xf32, #tpu.memory_space<vmem>>
        %dma_start3A_744 = tpu.memref_squeeze %dma_start3A_743 : memref<1x1x32x128xf32, #tpu.memory_space<vmem>> -> memref<32x128xf32, #tpu.memory_space<vmem>>
        %dma_start3A_745 = arith.constant 0 : i32
        %dma_start3A_746 = tpu.memref_slice %arg4[%dma_start3A_745, %multiple_of3A_732] : memref<32x1000000xf32, #tpu.memory_space<hbm>> -> memref<32x128xf32, #tpu.memory_space<hbm>>
        tpu.enqueue_dma source(%dma_start3A_746 : memref<32x128xf32, #tpu.memory_space<hbm>>) target(%dma_start3A_744 : memref<32x128xf32, #tpu.memory_space<vmem>>) target_semaphore(%arg10 : memref<!tpu.dma_semaphore, #tpu.memory_space<semaphore_mem>>)
        %slice3A_747 = vector.extract_strided_slice %mul3A_729 {offsets = [1], sizes = [1], strides = [1]} : vector<16xi32> to vector<1xi32>
        %squeeze3A_748 = vector.extract %slice3A_747[0] : i32 from vector<1xi32>
        %multiple_of3A_749 = tpu.assume_multiple %squeeze3A_748, 128 : i32
        %dma_start3A_750 = arith.constant 0 : i32
        %dma_start3A_751 = arith.constant 1 : i32
        %dma_start3A_752 = arith.constant 0 : i32
        %dma_start3A_753 = arith.constant 0 : i32
        %dma_start3A_754 = tpu.memref_slice %arg8[%dma_start3A_750, %dma_start3A_751, %dma_start3A_752, %dma_start3A_753] : memref<2x8x32x128xf32, #tpu.memory_space<vmem>> -> memref<1x1x32x128xf32, #tpu.memory_space<vmem>>
        %dma_start3A_755 = tpu.memref_squeeze %dma_start3A_754 : memref<1x1x32x128xf32, #tpu.memory_space<vmem>> -> memref<32x128xf32, #tpu.memory_space<vmem>>
        %dma_start3A_756 = arith.constant 0 : i32
        %dma_start3A_757 = tpu.memref_slice %arg4[%dma_start3A_756, %multiple_of3A_749] : memref<32x1000000xf32, #tpu.memory_space<hbm>> -> memref<32x128xf32, #tpu.memory_space<hbm>>
        %dma_start3A_758 = arith.constant 0 : i32
        %dma_start3A_759 = arith.constant 0 : i32
        %dma_start3A_760 = tpu.memref_slice %arg8[%dma_start3A_750, %dma_start3A_751, %dma_start3A_758, %dma_start3A_759] : memref<2x8x32x128xf32, #tpu.memory_space<vmem>> -> memref<1x1x32x128xf32, #tpu.memory_space<vmem>>
        %dma_start3A_761 = tpu.memref_squeeze %dma_start3A_760 : memref<1x1x32x128xf32, #tpu.memory_space<vmem>> -> memref<32x128xf32, #tpu.memory_space<vmem>>
        %dma_start3A_762 = arith.constant 0 : i32
        %dma_start3A_763 = tpu.memref_slice %arg4[%dma_start3A_762, %multiple_of3A_749] : memref<32x1000000xf32, #tpu.memory_space<hbm>> -> memref<32x128xf32, #tpu.memory_space<hbm>>
        tpu.enqueue_dma source(%dma_start3A_763 : memref<32x128xf32, #tpu.memory_space<hbm>>) target(%dma_start3A_761 : memref<32x128xf32, #tpu.memory_space<vmem>>) target_semaphore(%arg10 : memref<!tpu.dma_semaphore, #tpu.memory_space<semaphore_mem>>)
        %slice3A_764 = vector.extract_strided_slice %mul3A_729 {offsets = [2], sizes = [1], strides = [1]} : vector<16xi32> to vector<1xi32>
        %squeeze3A_765 = vector.extract %slice3A_764[0] : i32 from vector<1xi32>
        %multiple_of3A_766 = tpu.assume_multiple %squeeze3A_765, 128 : i32
        %dma_start3A_767 = arith.constant 0 : i32
        %dma_start3A_768 = arith.constant 2 : i32
        %dma_start3A_769 = arith.constant 0 : i32
        %dma_start3A_770 = arith.constant 0 : i32
        %dma_start3A_771 = tpu.memref_slice %arg8[%dma_start3A_767, %dma_start3A_768, %dma_start3A_769, %dma_start3A_770] : memref<2x8x32x128xf32, #tpu.memory_space<vmem>> -> memref<1x1x32x128xf32, #tpu.memory_space<vmem>>
        %dma_start3A_772 = tpu.memref_squeeze %dma_start3A_771 : memref<1x1x32x128xf32, #tpu.memory_space<vmem>> -> memref<32x128xf32, #tpu.memory_space<vmem>>
        %dma_start3A_773 = arith.constant 0 : i32
        %dma_start3A_774 = tpu.memref_slice %arg4[%dma_start3A_773, %multiple_of3A_766] : memref<32x1000000xf32, #tpu.memory_space<hbm>> -> memref<32x128xf32, #tpu.memory_space<hbm>>
        %dma_start3A_775 = arith.constant 0 : i32
        %dma_start3A_776 = arith.constant 0 : i32
        %dma_start3A_777 = tpu.memref_slice %arg8[%dma_start3A_767, %dma_start3A_768, %dma_start3A_775, %dma_start3A_776] : memref<2x8x32x128xf32, #tpu.memory_space<vmem>> -> memref<1x1x32x128xf32, #tpu.memory_space<vmem>>
        %dma_start3A_778 = tpu.memref_squeeze %dma_start3A_777 : memref<1x1x32x128xf32, #tpu.memory_space<vmem>> -> memref<32x128xf32, #tpu.memory_space<vmem>>
        %dma_start3A_779 = arith.constant 0 : i32
        %dma_start3A_780 = tpu.memref_slice %arg4[%dma_start3A_779, %multiple_of3A_766] : memref<32x1000000xf32, #tpu.memory_space<hbm>> -> memref<32x128xf32, #tpu.memory_space<hbm>>
        tpu.enqueue_dma source(%dma_start3A_780 : memref<32x128xf32, #tpu.memory_space<hbm>>) target(%dma_start3A_778 : memref<32x128xf32, #tpu.memory_space<vmem>>) target_semaphore(%arg10 : memref<!tpu.dma_semaphore, #tpu.memory_space<semaphore_mem>>)
        %slice3A_781 = vector.extract_strided_slice %mul3A_729 {offsets = [3], sizes = [1], strides = [1]} : vector<16xi32> to vector<1xi32>
        %squeeze3A_782 = vector.extract %slice3A_781[0] : i32 from vector<1xi32>
        %multiple_of3A_783 = tpu.assume_multiple %squeeze3A_782, 128 : i32
        %dma_start3A_784 = arith.constant 0 : i32
        %dma_start3A_785 = arith.constant 3 : i32
        %dma_start3A_786 = arith.constant 0 : i32
        %dma_start3A_787 = arith.constant 0 : i32
        %dma_start3A_788 = tpu.memref_slice %arg8[%dma_start3A_784, %dma_start3A_785, %dma_start3A_786, %dma_start3A_787] : memref<2x8x32x128xf32, #tpu.memory_space<vmem>> -> memref<1x1x32x128xf32, #tpu.memory_space<vmem>>
        %dma_start3A_789 = tpu.memref_squeeze %dma_start3A_788 : memref<1x1x32x128xf32, #tpu.memory_space<vmem>> -> memref<32x128xf32, #tpu.memory_space<vmem>>
        %dma_start3A_790 = arith.constant 0 : i32
        %dma_start3A_791 = tpu.memref_slice %arg4[%dma_start3A_790, %multiple_of3A_783] : memref<32x1000000xf32, #tpu.memory_space<hbm>> -> memref<32x128xf32, #tpu.memory_space<hbm>>
        %dma_start3A_792 = arith.constant 0 : i32
        %dma_start3A_793 = arith.constant 0 : i32
        %dma_start3A_794 = tpu.memref_slice %arg8[%dma_start3A_784, %dma_start3A_785, %dma_start3A_792, %dma_start3A_793] : memref<2x8x32x128xf32, #tpu.memory_space<vmem>> -> memref<1x1x32x128xf32, #tpu.memory_space<vmem>>
        %dma_start3A_795 = tpu.memref_squeeze %dma_start3A_794 : memref<1x1x32x128xf32, #tpu.memory_space<vmem>> -> memref<32x128xf32, #tpu.memory_space<vmem>>
        %dma_start3A_796 = arith.constant 0 : i32
        %dma_start3A_797 = tpu.memref_slice %arg4[%dma_start3A_796, %multiple_of3A_783] : memref<32x1000000xf32, #tpu.memory_space<hbm>> -> memref<32x128xf32, #tpu.memory_space<hbm>>
        tpu.enqueue_dma source(%dma_start3A_797 : memref<32x128xf32, #tpu.memory_space<hbm>>) target(%dma_start3A_795 : memref<32x128xf32, #tpu.memory_space<vmem>>) target_semaphore(%arg10 : memref<!tpu.dma_semaphore, #tpu.memory_space<semaphore_mem>>)
        %slice3A_798 = vector.extract_strided_slice %mul3A_729 {offsets = [4], sizes = [1], strides = [1]} : vector<16xi32> to vector<1xi32>
        %squeeze3A_799 = vector.extract %slice3A_798[0] : i32 from vector<1xi32>
        %multiple_of3A_800 = tpu.assume_multiple %squeeze3A_799, 128 : i32
        %dma_start3A_801 = arith.constant 0 : i32
        %dma_start3A_802 = arith.constant 4 : i32
        %dma_start3A_803 = arith.constant 0 : i32
        %dma_start3A_804 = arith.constant 0 : i32
        %dma_start3A_805 = tpu.memref_slice %arg8[%dma_start3A_801, %dma_start3A_802, %dma_start3A_803, %dma_start3A_804] : memref<2x8x32x128xf32, #tpu.memory_space<vmem>> -> memref<1x1x32x128xf32, #tpu.memory_space<vmem>>
        %dma_start3A_806 = tpu.memref_squeeze %dma_start3A_805 : memref<1x1x32x128xf32, #tpu.memory_space<vmem>> -> memref<32x128xf32, #tpu.memory_space<vmem>>
        %dma_start3A_807 = arith.constant 0 : i32
        %dma_start3A_808 = tpu.memref_slice %arg4[%dma_start3A_807, %multiple_of3A_800] : memref<32x1000000xf32, #tpu.memory_space<hbm>> -> memref<32x128xf32, #tpu.memory_space<hbm>>
        %dma_start3A_809 = arith.constant 0 : i32
        %dma_start3A_810 = arith.constant 0 : i32
        %dma_start3A_811 = tpu.memref_slice %arg8[%dma_start3A_801, %dma_start3A_802, %dma_start3A_809, %dma_start3A_810] : memref<2x8x32x128xf32, #tpu.memory_space<vmem>> -> memref<1x1x32x128xf32, #tpu.memory_space<vmem>>
        %dma_start3A_812 = tpu.memref_squeeze %dma_start3A_811 : memref<1x1x32x128xf32, #tpu.memory_space<vmem>> -> memref<32x128xf32, #tpu.memory_space<vmem>>
        %dma_start3A_813 = arith.constant 0 : i32
        %dma_start3A_814 = tpu.memref_slice %arg4[%dma_start3A_813, %multiple_of3A_800] : memref<32x1000000xf32, #tpu.memory_space<hbm>> -> memref<32x128xf32, #tpu.memory_space<hbm>>
        tpu.enqueue_dma source(%dma_start3A_814 : memref<32x128xf32, #tpu.memory_space<hbm>>) target(%dma_start3A_812 : memref<32x128xf32, #tpu.memory_space<vmem>>) target_semaphore(%arg10 : memref<!tpu.dma_semaphore, #tpu.memory_space<semaphore_mem>>)
        %slice3A_815 = vector.extract_strided_slice %mul3A_729 {offsets = [5], sizes = [1], strides = [1]} : vector<16xi32> to vector<1xi32>
        %squeeze3A_816 = vector.extract %slice3A_815[0] : i32 from vector<1xi32>
        %multiple_of3A_817 = tpu.assume_multiple %squeeze3A_816, 128 : i32
        %dma_start3A_818 = arith.constant 0 : i32
        %dma_start3A_819 = arith.constant 5 : i32
        %dma_start3A_820 = arith.constant 0 : i32
        %dma_start3A_821 = arith.constant 0 : i32
        %dma_start3A_822 = tpu.memref_slice %arg8[%dma_start3A_818, %dma_start3A_819, %dma_start3A_820, %dma_start3A_821] : memref<2x8x32x128xf32, #tpu.memory_space<vmem>> -> memref<1x1x32x128xf32, #tpu.memory_space<vmem>>
        %dma_start3A_823 = tpu.memref_squeeze %dma_start3A_822 : memref<1x1x32x128xf32, #tpu.memory_space<vmem>> -> memref<32x128xf32, #tpu.memory_space<vmem>>
        %dma_start3A_824 = arith.constant 0 : i32
        %dma_start3A_825 = tpu.memref_slice %arg4[%dma_start3A_824, %multiple_of3A_817] : memref<32x1000000xf32, #tpu.memory_space<hbm>> -> memref<32x128xf32, #tpu.memory_space<hbm>>
        %dma_start3A_826 = arith.constant 0 : i32
        %dma_start3A_827 = arith.constant 0 : i32
        %dma_start3A_828 = tpu.memref_slice %arg8[%dma_start3A_818, %dma_start3A_819, %dma_start3A_826, %dma_start3A_827] : memref<2x8x32x128xf32, #tpu.memory_space<vmem>> -> memref<1x1x32x128xf32, #tpu.memory_space<vmem>>
        %dma_start3A_829 = tpu.memref_squeeze %dma_start3A_828 : memref<1x1x32x128xf32, #tpu.memory_space<vmem>> -> memref<32x128xf32, #tpu.memory_space<vmem>>
        %dma_start3A_830 = arith.constant 0 : i32
        %dma_start3A_831 = tpu.memref_slice %arg4[%dma_start3A_830, %multiple_of3A_817] : memref<32x1000000xf32, #tpu.memory_space<hbm>> -> memref<32x128xf32, #tpu.memory_space<hbm>>
        tpu.enqueue_dma source(%dma_start3A_831 : memref<32x128xf32, #tpu.memory_space<hbm>>) target(%dma_start3A_829 : memref<32x128xf32, #tpu.memory_space<vmem>>) target_semaphore(%arg10 : memref<!tpu.dma_semaphore, #tpu.memory_space<semaphore_mem>>)
        %slice3A_832 = vector.extract_strided_slice %mul3A_729 {offsets = [6], sizes = [1], strides = [1]} : vector<16xi32> to vector<1xi32>
        %squeeze3A_833 = vector.extract %slice3A_832[0] : i32 from vector<1xi32>
        %multiple_of3A_834 = tpu.assume_multiple %squeeze3A_833, 128 : i32
        %dma_start3A_835 = arith.constant 0 : i32
        %dma_start3A_836 = arith.constant 6 : i32
        %dma_start3A_837 = arith.constant 0 : i32
        %dma_start3A_838 = arith.constant 0 : i32
        %dma_start3A_839 = tpu.memref_slice %arg8[%dma_start3A_835, %dma_start3A_836, %dma_start3A_837, %dma_start3A_838] : memref<2x8x32x128xf32, #tpu.memory_space<vmem>> -> memref<1x1x32x128xf32, #tpu.memory_space<vmem>>
        %dma_start3A_840 = tpu.memref_squeeze %dma_start3A_839 : memref<1x1x32x128xf32, #tpu.memory_space<vmem>> -> memref<32x128xf32, #tpu.memory_space<vmem>>
        %dma_start3A_841 = arith.constant 0 : i32
        %dma_start3A_842 = tpu.memref_slice %arg4[%dma_start3A_841, %multiple_of3A_834] : memref<32x1000000xf32, #tpu.memory_space<hbm>> -> memref<32x128xf32, #tpu.memory_space<hbm>>
        %dma_start3A_843 = arith.constant 0 : i32
        %dma_start3A_844 = arith.constant 0 : i32
        %dma_start3A_845 = tpu.memref_slice %arg8[%dma_start3A_835, %dma_start3A_836, %dma_start3A_843, %dma_start3A_844] : memref<2x8x32x128xf32, #tpu.memory_space<vmem>> -> memref<1x1x32x128xf32, #tpu.memory_space<vmem>>
        %dma_start3A_846 = tpu.memref_squeeze %dma_start3A_845 : memref<1x1x32x128xf32, #tpu.memory_space<vmem>> -> memref<32x128xf32, #tpu.memory_space<vmem>>
        %dma_start3A_847 = arith.constant 0 : i32
        %dma_start3A_848 = tpu.memref_slice %arg4[%dma_start3A_847, %multiple_of3A_834] : memref<32x1000000xf32, #tpu.memory_space<hbm>> -> memref<32x128xf32, #tpu.memory_space<hbm>>
        tpu.enqueue_dma source(%dma_start3A_848 : memref<32x128xf32, #tpu.memory_space<hbm>>) target(%dma_start3A_846 : memref<32x128xf32, #tpu.memory_space<vmem>>) target_semaphore(%arg10 : memref<!tpu.dma_semaphore, #tpu.memory_space<semaphore_mem>>)
        %slice3A_849 = vector.extract_strided_slice %mul3A_729 {offsets = [7], sizes = [1], strides = [1]} : vector<16xi32> to vector<1xi32>
        %squeeze3A_850 = vector.extract %slice3A_849[0] : i32 from vector<1xi32>
        %multiple_of3A_851 = tpu.assume_multiple %squeeze3A_850, 128 : i32
        %dma_start3A_852 = arith.constant 0 : i32
        %dma_start3A_853 = arith.constant 7 : i32
        %dma_start3A_854 = arith.constant 0 : i32
        %dma_start3A_855 = arith.constant 0 : i32
        %dma_start3A_856 = tpu.memref_slice %arg8[%dma_start3A_852, %dma_start3A_853, %dma_start3A_854, %dma_start3A_855] : memref<2x8x32x128xf32, #tpu.memory_space<vmem>> -> memref<1x1x32x128xf32, #tpu.memory_space<vmem>>
        %dma_start3A_857 = tpu.memref_squeeze %dma_start3A_856 : memref<1x1x32x128xf32, #tpu.memory_space<vmem>> -> memref<32x128xf32, #tpu.memory_space<vmem>>
        %dma_start3A_858 = arith.constant 0 : i32
        %dma_start3A_859 = tpu.memref_slice %arg4[%dma_start3A_858, %multiple_of3A_851] : memref<32x1000000xf32, #tpu.memory_space<hbm>> -> memref<32x128xf32, #tpu.memory_space<hbm>>
        %dma_start3A_860 = arith.constant 0 : i32
        %dma_start3A_861 = arith.constant 0 : i32
        %dma_start3A_862 = tpu.memref_slice %arg8[%dma_start3A_852, %dma_start3A_853, %dma_start3A_860, %dma_start3A_861] : memref<2x8x32x128xf32, #tpu.memory_space<vmem>> -> memref<1x1x32x128xf32, #tpu.memory_space<vmem>>
        %dma_start3A_863 = tpu.memref_squeeze %dma_start3A_862 : memref<1x1x32x128xf32, #tpu.memory_space<vmem>> -> memref<32x128xf32, #tpu.memory_space<vmem>>
        %dma_start3A_864 = arith.constant 0 : i32
        %dma_start3A_865 = tpu.memref_slice %arg4[%dma_start3A_864, %multiple_of3A_851] : memref<32x1000000xf32, #tpu.memory_space<hbm>> -> memref<32x128xf32, #tpu.memory_space<hbm>>
        tpu.enqueue_dma source(%dma_start3A_865 : memref<32x128xf32, #tpu.memory_space<hbm>>) target(%dma_start3A_863 : memref<32x128xf32, #tpu.memory_space<vmem>>) target_semaphore(%arg10 : memref<!tpu.dma_semaphore, #tpu.memory_space<semaphore_mem>>)
      } else {
      }
      %dma_wait3A_513 = arith.constant 1 : i32
      %dma_wait3A_514 = arith.constant 0 : i32
      %dma_wait3A_515 = arith.constant 0 : i32
      %dma_wait3A_516 = arith.constant 0 : i32
      %dma_wait3A_517 = tpu.memref_slice %arg8[%dma_wait3A_513, %dma_wait3A_514, %dma_wait3A_515, %dma_wait3A_516] : memref<2x8x32x128xf32, #tpu.memory_space<vmem>> -> memref<1x8x32x128xf32, #tpu.memory_space<vmem>>
      %dma_wait3A_518 = tpu.memref_squeeze %dma_wait3A_517 : memref<1x8x32x128xf32, #tpu.memory_space<vmem>> -> memref<8x32x128xf32, #tpu.memory_space<vmem>>
      %dma_wait3A_519 = arith.constant 0 : i32
      %dma_wait3A_520 = arith.constant 0 : i32
      %dma_wait3A_521 = tpu.memref_slice %arg4[%dma_wait3A_519, %dma_wait3A_520] : memref<32x1000000xf32, #tpu.memory_space<hbm>> -> memref<32x128xf32, #tpu.memory_space<hbm>>
      %dma_wait3A_522 = arith.constant 0 : i32
      %dma_wait3A_523 = arith.constant 0 : i32
      %dma_wait3A_524 = arith.constant 0 : i32
      %dma_wait3A_525 = tpu.memref_slice %arg8[%dma_wait3A_513, %dma_wait3A_522, %dma_wait3A_523, %dma_wait3A_524] : memref<2x8x32x128xf32, #tpu.memory_space<vmem>> -> memref<1x8x32x128xf32, #tpu.memory_space<vmem>>
      %dma_wait3A_526 = tpu.memref_squeeze %dma_wait3A_525 : memref<1x8x32x128xf32, #tpu.memory_space<vmem>> -> memref<8x32x128xf32, #tpu.memory_space<vmem>>
      %dma_wait3A_527 = arith.constant 0 : i32
      %dma_wait3A_528 = arith.constant 0 : i32
      %dma_wait3A_529 = tpu.memref_slice %arg4[%dma_wait3A_527, %dma_wait3A_528] : memref<32x1000000xf32, #tpu.memory_space<hbm>> -> memref<32x128xf32, #tpu.memory_space<hbm>>
      tpu.wait_dma2 semaphore(%arg11 : memref<!tpu.dma_semaphore, #tpu.memory_space<semaphore_mem>>) src(%dma_wait3A_529 : memref<32x128xf32, #tpu.memory_space<hbm>>) dst(%dma_wait3A_526 : memref<8x32x128xf32, #tpu.memory_space<vmem>>)
      %add3A_530 = arith.constant 8 : i32
      %add3A_531 = arith.addi %mul3A_159, %add3A_530 : i32
      %mul3A_532 = arith.constant 0 : i32
      %mul3A_533 = vector.broadcast %mul3A_532 : i32 to vector<16xi32>
      %mul3A_534 = arith.muli %iota3A, %mul3A_533 : vector<16xi32>
      %add3A_535 = arith.constant 1 : i32
      %add3A_536 = vector.broadcast %add3A_535 : i32 to vector<16xi32>
      %add3A_537 = arith.addi %mul3A_534, %add3A_536 : vector<16xi32>
      %mul3A_538 = arith.constant 0 : i32
      %mul3A_539 = vector.broadcast %mul3A_538 : i32 to vector<16xi32>
      %mul3A_540 = arith.muli %iota3A, %mul3A_539 : vector<16xi32>
      %add3A_541 = arith.constant 0 : i32
      %add3A_542 = vector.broadcast %add3A_541 : i32 to vector<16xi32>
      %add3A_543 = arith.addi %mul3A_540, %add3A_542 : vector<16xi32>
      %mul3A_544 = arith.constant 0 : i32
      %mul3A_545 = vector.broadcast %mul3A_544 : i32 to vector<16xi32>
      %mul3A_546 = arith.muli %iota3A, %mul3A_545 : vector<16xi32>
      %slice3A_547 = vector.extract_strided_slice %and3A_175 {offsets = [8], sizes = [1], strides = [1]} : vector<16xi32> to vector<1xi32>
      %squeeze3A_548 = vector.extract %slice3A_547[0] : i32 from vector<1xi32>
      %add3A_549 = vector.broadcast %squeeze3A_548 : i32 to vector<16xi32>
      %add3A_550 = arith.addi %mul3A_546, %add3A_549 : vector<16xi32>
      %mul3A_551 = arith.constant 0 : i32
      %mul3A_552 = vector.broadcast %mul3A_551 : i32 to vector<16xi32>
      %mul3A_553 = arith.muli %iota3A, %mul3A_552 : vector<16xi32>
      %add3A_554 = arith.constant 0 : i32
      %add3A_555 = arith.addi %add3A_531, %add3A_554 : i32
      %add3A_556 = vector.broadcast %add3A_555 : i32 to vector<16xi32>
      %add3A_557 = arith.addi %mul3A_553, %add3A_556 : vector<16xi32>
      %gather3A_558 = tpu.vector_load_idx %arg8[%add3A_537, %add3A_543, %iota3A, %add3A_550] : memref<2x8x32x128xf32, #tpu.memory_space<vmem>>[vector<16xi32>, vector<16xi32>, vector<16xi32>, vector<16xi32>], vector<16xf32>,
      tpu.vector_store_idx %arg9[%iota3A, %add3A_557], %gather3A_558 : memref<32x512xf32, #tpu.memory_space<vmem>>[vector<16xi32>, vector<16xi32>], vector<16xf32>,
      %gather3A_559 = tpu.vector_load_idx %arg8[%add3A_537, %add3A_543, %add3A_5, %add3A_550] : memref<2x8x32x128xf32, #tpu.memory_space<vmem>>[vector<16xi32>, vector<16xi32>, vector<16xi32>, vector<16xi32>], vector<16xf32>,
      tpu.vector_store_idx %arg9[%add3A_5, %add3A_557], %gather3A_559 : memref<32x512xf32, #tpu.memory_space<vmem>>[vector<16xi32>, vector<16xi32>], vector<16xf32>,
      %mul3A_560 = arith.constant 0 : i32
      %mul3A_561 = vector.broadcast %mul3A_560 : i32 to vector<16xi32>
      %mul3A_562 = arith.muli %iota3A, %mul3A_561 : vector<16xi32>
      %add3A_563 = arith.constant 1 : i32
      %add3A_564 = vector.broadcast %add3A_563 : i32 to vector<16xi32>
      %add3A_565 = arith.addi %mul3A_562, %add3A_564 : vector<16xi32>
      %mul3A_566 = arith.constant 0 : i32
      %mul3A_567 = vector.broadcast %mul3A_566 : i32 to vector<16xi32>
      %mul3A_568 = arith.muli %iota3A, %mul3A_567 : vector<16xi32>
      %slice3A_569 = vector.extract_strided_slice %and3A_175 {offsets = [9], sizes = [1], strides = [1]} : vector<16xi32> to vector<1xi32>
      %squeeze3A_570 = vector.extract %slice3A_569[0] : i32 from vector<1xi32>
      %add3A_571 = vector.broadcast %squeeze3A_570 : i32 to vector<16xi32>
      %add3A_572 = arith.addi %mul3A_568, %add3A_571 : vector<16xi32>
      %mul3A_573 = arith.constant 0 : i32
      %mul3A_574 = vector.broadcast %mul3A_573 : i32 to vector<16xi32>
      %mul3A_575 = arith.muli %iota3A, %mul3A_574 : vector<16xi32>
      %add3A_576 = arith.constant 1 : i32
      %add3A_577 = arith.addi %add3A_531, %add3A_576 : i32
      %add3A_578 = vector.broadcast %add3A_577 : i32 to vector<16xi32>
      %add3A_579 = arith.addi %mul3A_575, %add3A_578 : vector<16xi32>
      %gather3A_580 = tpu.vector_load_idx %arg8[%add3A_537, %add3A_565, %iota3A, %add3A_572] : memref<2x8x32x128xf32, #tpu.memory_space<vmem>>[vector<16xi32>, vector<16xi32>, vector<16xi32>, vector<16xi32>], vector<16xf32>,
      tpu.vector_store_idx %arg9[%iota3A, %add3A_579], %gather3A_580 : memref<32x512xf32, #tpu.memory_space<vmem>>[vector<16xi32>, vector<16xi32>], vector<16xf32>,
      %gather3A_581 = tpu.vector_load_idx %arg8[%add3A_537, %add3A_565, %add3A_5, %add3A_572] : memref<2x8x32x128xf32, #tpu.memory_space<vmem>>[vector<16xi32>, vector<16xi32>, vector<16xi32>, vector<16xi32>], vector<16xf32>,
      tpu.vector_store_idx %arg9[%add3A_5, %add3A_579], %gather3A_581 : memref<32x512xf32, #tpu.memory_space<vmem>>[vector<16xi32>, vector<16xi32>], vector<16xf32>,
      %mul3A_582 = arith.constant 0 : i32
      %mul3A_583 = vector.broadcast %mul3A_582 : i32 to vector<16xi32>
      %mul3A_584 = arith.muli %iota3A, %mul3A_583 : vector<16xi32>
      %add3A_585 = arith.constant 2 : i32
      %add3A_586 = vector.broadcast %add3A_585 : i32 to vector<16xi32>
      %add3A_587 = arith.addi %mul3A_584, %add3A_586 : vector<16xi32>
      %mul3A_588 = arith.constant 0 : i32
      %mul3A_589 = vector.broadcast %mul3A_588 : i32 to vector<16xi32>
      %mul3A_590 = arith.muli %iota3A, %mul3A_589 : vector<16xi32>
      %slice3A_591 = vector.extract_strided_slice %and3A_175 {offsets = [10], sizes = [1], strides = [1]} : vector<16xi32> to vector<1xi32>
      %squeeze3A_592 = vector.extract %slice3A_591[0] : i32 from vector<1xi32>
      %add3A_593 = vector.broadcast %squeeze3A_592 : i32 to vector<16xi32>
      %add3A_594 = arith.addi %mul3A_590, %add3A_593 : vector<16xi32>
      %mul3A_595 = arith.constant 0 : i32
      %mul3A_596 = vector.broadcast %mul3A_595 : i32 to vector<16xi32>
      %mul3A_597 = arith.muli %iota3A, %mul3A_596 : vector<16xi32>
      %add3A_598 = arith.constant 2 : i32
      %add3A_599 = arith.addi %add3A_531, %add3A_598 : i32
      %add3A_600 = vector.broadcast %add3A_599 : i32 to vector<16xi32>
      %add3A_601 = arith.addi %mul3A_597, %add3A_600 : vector<16xi32>
      %gather3A_602 = tpu.vector_load_idx %arg8[%add3A_537, %add3A_587, %iota3A, %add3A_594] : memref<2x8x32x128xf32, #tpu.memory_space<vmem>>[vector<16xi32>, vector<16xi32>, vector<16xi32>, vector<16xi32>], vector<16xf32>,
      tpu.vector_store_idx %arg9[%iota3A, %add3A_601], %gather3A_602 : memref<32x512xf32, #tpu.memory_space<vmem>>[vector<16xi32>, vector<16xi32>], vector<16xf32>,
      %gather3A_603 = tpu.vector_load_idx %arg8[%add3A_537, %add3A_587, %add3A_5, %add3A_594] : memref<2x8x32x128xf32, #tpu.memory_space<vmem>>[vector<16xi32>, vector<16xi32>, vector<16xi32>, vector<16xi32>], vector<16xf32>,
      tpu.vector_store_idx %arg9[%add3A_5, %add3A_601], %gather3A_603 : memref<32x512xf32, #tpu.memory_space<vmem>>[vector<16xi32>, vector<16xi32>], vector<16xf32>,
      %mul3A_604 = arith.constant 0 : i32
      %mul3A_605 = vector.broadcast %mul3A_604 : i32 to vector<16xi32>
      %mul3A_606 = arith.muli %iota3A, %mul3A_605 : vector<16xi32>
      %add3A_607 = arith.constant 3 : i32
      %add3A_608 = vector.broadcast %add3A_607 : i32 to vector<16xi32>
      %add3A_609 = arith.addi %mul3A_606, %add3A_608 : vector<16xi32>
      %mul3A_610 = arith.constant 0 : i32
      %mul3A_611 = vector.broadcast %mul3A_610 : i32 to vector<16xi32>
      %mul3A_612 = arith.muli %iota3A, %mul3A_611 : vector<16xi32>
      %slice3A_613 = vector.extract_strided_slice %and3A_175 {offsets = [11], sizes = [1], strides = [1]} : vector<16xi32> to vector<1xi32>
      %squeeze3A_614 = vector.extract %slice3A_613[0] : i32 from vector<1xi32>
      %add3A_615 = vector.broadcast %squeeze3A_614 : i32 to vector<16xi32>
      %add3A_616 = arith.addi %mul3A_612, %add3A_615 : vector<16xi32>
      %mul3A_617 = arith.constant 0 : i32
      %mul3A_618 = vector.broadcast %mul3A_617 : i32 to vector<16xi32>
      %mul3A_619 = arith.muli %iota3A, %mul3A_618 : vector<16xi32>
      %add3A_620 = arith.constant 3 : i32
      %add3A_621 = arith.addi %add3A_531, %add3A_620 : i32
      %add3A_622 = vector.broadcast %add3A_621 : i32 to vector<16xi32>
      %add3A_623 = arith.addi %mul3A_619, %add3A_622 : vector<16xi32>
      %gather3A_624 = tpu.vector_load_idx %arg8[%add3A_537, %add3A_609, %iota3A, %add3A_616] : memref<2x8x32x128xf32, #tpu.memory_space<vmem>>[vector<16xi32>, vector<16xi32>, vector<16xi32>, vector<16xi32>], vector<16xf32>,
      tpu.vector_store_idx %arg9[%iota3A, %add3A_623], %gather3A_624 : memref<32x512xf32, #tpu.memory_space<vmem>>[vector<16xi32>, vector<16xi32>], vector<16xf32>,
      %gather3A_625 = tpu.vector_load_idx %arg8[%add3A_537, %add3A_609, %add3A_5, %add3A_616] : memref<2x8x32x128xf32, #tpu.memory_space<vmem>>[vector<16xi32>, vector<16xi32>, vector<16xi32>, vector<16xi32>], vector<16xf32>,
      tpu.vector_store_idx %arg9[%add3A_5, %add3A_623], %gather3A_625 : memref<32x512xf32, #tpu.memory_space<vmem>>[vector<16xi32>, vector<16xi32>], vector<16xf32>,
      %mul3A_626 = arith.constant 0 : i32
      %mul3A_627 = vector.broadcast %mul3A_626 : i32 to vector<16xi32>
      %mul3A_628 = arith.muli %iota3A, %mul3A_627 : vector<16xi32>
      %add3A_629 = arith.constant 4 : i32
      %add3A_630 = vector.broadcast %add3A_629 : i32 to vector<16xi32>
      %add3A_631 = arith.addi %mul3A_628, %add3A_630 : vector<16xi32>
      %mul3A_632 = arith.constant 0 : i32
      %mul3A_633 = vector.broadcast %mul3A_632 : i32 to vector<16xi32>
      %mul3A_634 = arith.muli %iota3A, %mul3A_633 : vector<16xi32>
      %slice3A_635 = vector.extract_strided_slice %and3A_175 {offsets = [12], sizes = [1], strides = [1]} : vector<16xi32> to vector<1xi32>
      %squeeze3A_636 = vector.extract %slice3A_635[0] : i32 from vector<1xi32>
      %add3A_637 = vector.broadcast %squeeze3A_636 : i32 to vector<16xi32>
      %add3A_638 = arith.addi %mul3A_634, %add3A_637 : vector<16xi32>
      %mul3A_639 = arith.constant 0 : i32
      %mul3A_640 = vector.broadcast %mul3A_639 : i32 to vector<16xi32>
      %mul3A_641 = arith.muli %iota3A, %mul3A_640 : vector<16xi32>
      %add3A_642 = arith.constant 4 : i32
      %add3A_643 = arith.addi %add3A_531, %add3A_642 : i32
      %add3A_644 = vector.broadcast %add3A_643 : i32 to vector<16xi32>
      %add3A_645 = arith.addi %mul3A_641, %add3A_644 : vector<16xi32>
      %gather3A_646 = tpu.vector_load_idx %arg8[%add3A_537, %add3A_631, %iota3A, %add3A_638] : memref<2x8x32x128xf32, #tpu.memory_space<vmem>>[vector<16xi32>, vector<16xi32>, vector<16xi32>, vector<16xi32>], vector<16xf32>,
      tpu.vector_store_idx %arg9[%iota3A, %add3A_645], %gather3A_646 : memref<32x512xf32, #tpu.memory_space<vmem>>[vector<16xi32>, vector<16xi32>], vector<16xf32>,
      %gather3A_647 = tpu.vector_load_idx %arg8[%add3A_537, %add3A_631, %add3A_5, %add3A_638] : memref<2x8x32x128xf32, #tpu.memory_space<vmem>>[vector<16xi32>, vector<16xi32>, vector<16xi32>, vector<16xi32>], vector<16xf32>,
      tpu.vector_store_idx %arg9[%add3A_5, %add3A_645], %gather3A_647 : memref<32x512xf32, #tpu.memory_space<vmem>>[vector<16xi32>, vector<16xi32>], vector<16xf32>,
      %mul3A_648 = arith.constant 0 : i32
      %mul3A_649 = vector.broadcast %mul3A_648 : i32 to vector<16xi32>
      %mul3A_650 = arith.muli %iota3A, %mul3A_649 : vector<16xi32>
      %add3A_651 = arith.constant 5 : i32
      %add3A_652 = vector.broadcast %add3A_651 : i32 to vector<16xi32>
      %add3A_653 = arith.addi %mul3A_650, %add3A_652 : vector<16xi32>
      %mul3A_654 = arith.constant 0 : i32
      %mul3A_655 = vector.broadcast %mul3A_654 : i32 to vector<16xi32>
      %mul3A_656 = arith.muli %iota3A, %mul3A_655 : vector<16xi32>
      %slice3A_657 = vector.extract_strided_slice %and3A_175 {offsets = [13], sizes = [1], strides = [1]} : vector<16xi32> to vector<1xi32>
      %squeeze3A_658 = vector.extract %slice3A_657[0] : i32 from vector<1xi32>
      %add3A_659 = vector.broadcast %squeeze3A_658 : i32 to vector<16xi32>
      %add3A_660 = arith.addi %mul3A_656, %add3A_659 : vector<16xi32>
      %mul3A_661 = arith.constant 0 : i32
      %mul3A_662 = vector.broadcast %mul3A_661 : i32 to vector<16xi32>
      %mul3A_663 = arith.muli %iota3A, %mul3A_662 : vector<16xi32>
      %add3A_664 = arith.constant 5 : i32
      %add3A_665 = arith.addi %add3A_531, %add3A_664 : i32
      %add3A_666 = vector.broadcast %add3A_665 : i32 to vector<16xi32>
      %add3A_667 = arith.addi %mul3A_663, %add3A_666 : vector<16xi32>
      %gather3A_668 = tpu.vector_load_idx %arg8[%add3A_537, %add3A_653, %iota3A, %add3A_660] : memref<2x8x32x128xf32, #tpu.memory_space<vmem>>[vector<16xi32>, vector<16xi32>, vector<16xi32>, vector<16xi32>], vector<16xf32>,
      tpu.vector_store_idx %arg9[%iota3A, %add3A_667], %gather3A_668 : memref<32x512xf32, #tpu.memory_space<vmem>>[vector<16xi32>, vector<16xi32>], vector<16xf32>,
      %gather3A_669 = tpu.vector_load_idx %arg8[%add3A_537, %add3A_653, %add3A_5, %add3A_660] : memref<2x8x32x128xf32, #tpu.memory_space<vmem>>[vector<16xi32>, vector<16xi32>, vector<16xi32>, vector<16xi32>], vector<16xf32>,
      tpu.vector_store_idx %arg9[%add3A_5, %add3A_667], %gather3A_669 : memref<32x512xf32, #tpu.memory_space<vmem>>[vector<16xi32>, vector<16xi32>], vector<16xf32>,
      %mul3A_670 = arith.constant 0 : i32
      %mul3A_671 = vector.broadcast %mul3A_670 : i32 to vector<16xi32>
      %mul3A_672 = arith.muli %iota3A, %mul3A_671 : vector<16xi32>
      %add3A_673 = arith.constant 6 : i32
      %add3A_674 = vector.broadcast %add3A_673 : i32 to vector<16xi32>
      %add3A_675 = arith.addi %mul3A_672, %add3A_674 : vector<16xi32>
      %mul3A_676 = arith.constant 0 : i32
      %mul3A_677 = vector.broadcast %mul3A_676 : i32 to vector<16xi32>
      %mul3A_678 = arith.muli %iota3A, %mul3A_677 : vector<16xi32>
      %slice3A_679 = vector.extract_strided_slice %and3A_175 {offsets = [14], sizes = [1], strides = [1]} : vector<16xi32> to vector<1xi32>
      %squeeze3A_680 = vector.extract %slice3A_679[0] : i32 from vector<1xi32>
      %add3A_681 = vector.broadcast %squeeze3A_680 : i32 to vector<16xi32>
      %add3A_682 = arith.addi %mul3A_678, %add3A_681 : vector<16xi32>
      %mul3A_683 = arith.constant 0 : i32
      %mul3A_684 = vector.broadcast %mul3A_683 : i32 to vector<16xi32>
      %mul3A_685 = arith.muli %iota3A, %mul3A_684 : vector<16xi32>
      %add3A_686 = arith.constant 6 : i32
      %add3A_687 = arith.addi %add3A_531, %add3A_686 : i32
      %add3A_688 = vector.broadcast %add3A_687 : i32 to vector<16xi32>
      %add3A_689 = arith.addi %mul3A_685, %add3A_688 : vector<16xi32>
      %gather3A_690 = tpu.vector_load_idx %arg8[%add3A_537, %add3A_675, %iota3A, %add3A_682] : memref<2x8x32x128xf32, #tpu.memory_space<vmem>>[vector<16xi32>, vector<16xi32>, vector<16xi32>, vector<16xi32>], vector<16xf32>,
      tpu.vector_store_idx %arg9[%iota3A, %add3A_689], %gather3A_690 : memref<32x512xf32, #tpu.memory_space<vmem>>[vector<16xi32>, vector<16xi32>], vector<16xf32>,
      %gather3A_691 = tpu.vector_load_idx %arg8[%add3A_537, %add3A_675, %add3A_5, %add3A_682] : memref<2x8x32x128xf32, #tpu.memory_space<vmem>>[vector<16xi32>, vector<16xi32>, vector<16xi32>, vector<16xi32>], vector<16xf32>,
      tpu.vector_store_idx %arg9[%add3A_5, %add3A_689], %gather3A_691 : memref<32x512xf32, #tpu.memory_space<vmem>>[vector<16xi32>, vector<16xi32>], vector<16xf32>,
      %mul3A_692 = arith.constant 0 : i32
      %mul3A_693 = vector.broadcast %mul3A_692 : i32 to vector<16xi32>
      %mul3A_694 = arith.muli %iota3A, %mul3A_693 : vector<16xi32>
      %add3A_695 = arith.constant 7 : i32
      %add3A_696 = vector.broadcast %add3A_695 : i32 to vector<16xi32>
      %add3A_697 = arith.addi %mul3A_694, %add3A_696 : vector<16xi32>
      %mul3A_698 = arith.constant 0 : i32
      %mul3A_699 = vector.broadcast %mul3A_698 : i32 to vector<16xi32>
      %mul3A_700 = arith.muli %iota3A, %mul3A_699 : vector<16xi32>
      %slice3A_701 = vector.extract_strided_slice %and3A_175 {offsets = [15], sizes = [1], strides = [1]} : vector<16xi32> to vector<1xi32>
      %squeeze3A_702 = vector.extract %slice3A_701[0] : i32 from vector<1xi32>
      %add3A_703 = vector.broadcast %squeeze3A_702 : i32 to vector<16xi32>
      %add3A_704 = arith.addi %mul3A_700, %add3A_703 : vector<16xi32>
      %mul3A_705 = arith.constant 0 : i32
      %mul3A_706 = vector.broadcast %mul3A_705 : i32 to vector<16xi32>
      %mul3A_707 = arith.muli %iota3A, %mul3A_706 : vector<16xi32>
      %add3A_708 = arith.constant 7 : i32
      %add3A_709 = arith.addi %add3A_531, %add3A_708 : i32
      %add3A_710 = vector.broadcast %add3A_709 : i32 to vector<16xi32>
      %add3A_711 = arith.addi %mul3A_707, %add3A_710 : vector<16xi32>
      %gather3A_712 = tpu.vector_load_idx %arg8[%add3A_537, %add3A_697, %iota3A, %add3A_704] : memref<2x8x32x128xf32, #tpu.memory_space<vmem>>[vector<16xi32>, vector<16xi32>, vector<16xi32>, vector<16xi32>], vector<16xf32>,
      tpu.vector_store_idx %arg9[%iota3A, %add3A_711], %gather3A_712 : memref<32x512xf32, #tpu.memory_space<vmem>>[vector<16xi32>, vector<16xi32>], vector<16xf32>,
      %gather3A_713 = tpu.vector_load_idx %arg8[%add3A_537, %add3A_697, %add3A_5, %add3A_704] : memref<2x8x32x128xf32, #tpu.memory_space<vmem>>[vector<16xi32>, vector<16xi32>, vector<16xi32>, vector<16xi32>], vector<16xf32>,
      tpu.vector_store_idx %arg9[%add3A_5, %add3A_711], %gather3A_713 : memref<32x512xf32, #tpu.memory_space<vmem>>[vector<16xi32>, vector<16xi32>], vector<16xf32>,
    }
    %scan3A_154 = arith.constant 32 : i32
    "tpu.region"() ({
      %run_scoped3A = tpu.sem_alloc : memref<!tpu.dma_semaphore, #tpu.memory_space<semaphore_mem>>
      %dma_start3A_155 = arith.constant 0 : i32
      %dma_start3A_156 = tpu.memref_slice %arg5[%dma_start3A_155, %mul3A_2] : memref<32x16384xf32, #tpu.memory_space<hbm>> -> memref<32x512xf32, #tpu.memory_space<hbm>>
      %dma_start3A_157 = arith.constant 0 : i32
      %dma_start3A_158 = tpu.memref_slice %arg5[%dma_start3A_157, %mul3A_2] : memref<32x16384xf32, #tpu.memory_space<hbm>> -> memref<32x512xf32, #tpu.memory_space<hbm>>
      tpu.enqueue_dma source(%arg9 : memref<32x512xf32, #tpu.memory_space<vmem>>) target(%dma_start3A_158 : memref<32x512xf32, #tpu.memory_space<hbm>>) target_semaphore(%run_scoped3A : memref<!tpu.dma_semaphore, #tpu.memory_space<semaphore_mem>>)
      %dma_wait3A = arith.constant 0 : i32
      %dma_wait3A_159 = tpu.memref_slice %arg5[%dma_wait3A, %mul3A_2] : memref<32x16384xf32, #tpu.memory_space<hbm>> -> memref<32x512xf32, #tpu.memory_space<hbm>>
      %dma_wait3A_160 = arith.constant 0 : i32
      %dma_wait3A_161 = tpu.memref_slice %arg5[%dma_wait3A_160, %mul3A_2] : memref<32x16384xf32, #tpu.memory_space<hbm>> -> memref<32x512xf32, #tpu.memory_space<hbm>>
      tpu.wait_dma2 semaphore(%run_scoped3A : memref<!tpu.dma_semaphore, #tpu.memory_space<semaphore_mem>>) src(%arg9 : memref<32x512xf32, #tpu.memory_space<vmem>>) dst(%dma_wait3A_161 : memref<32x512xf32, #tpu.memory_space<hbm>>)
      tpu.yield
    }) : () -> ()
    return
  }
}

</mosaic_0001>

<sc_bundles>
// kernel: kernel.3.cloned.1.call-start
scs
__scs_entry_jumppad:
0x0: {  	(pc) =	sbr.rel $0x88, $3  }
0x1: {  	(tag) =	ssettag $0x0;
	lr =	simm.s32 $0x1  }
0x2: {  	[smem:$0x3F9E] =	sst lr;
	_ =	strace $0xD0000000  }
0x3: {  	_ = 	snop  }
0x4: {  	_ = 	snop  }
0x5: {  	_ = 	snop  }
0x6: {  	_ = 	snop  }
0x7: {  	_ = 	snop  }
__scs_overlays_trampoline_lowered:
0x8: {  	[smem:$0x3FAD] =	sst s0  }
0x9: {  	[smem:$0x3FAE] =	sst s1  }
0xa: {  	[smem:$0x3FAF] =	sst s2  }
0xb: {  	[smem:$0x3FB0] =	sst s3  }
0xc: {  	[smem:$0x3FB1] =	sst s4  }
0xd: {  	[smem:$0x3FB2] =	sst s5  }
0xe: {  	[smem:$0x3FB3] =	sst s6  }
0xf: {  	[smem:$0x3FB4] =	sst s7  }
0x10: {  	[smem:$0x3FB5] =	sst s8  }
0x11: {  	[smem:$0x3FB6] =	sst s9;
	s0 =	simm.s32 @!p0 $0x0  }
0x12: {  	s1 =	sld [smem:$0x3F9C];
	s0 =	simm.s32 @p0 $0x1  }
0x13: {  	[smem:$0x3FB7] =	sst s0;
	s0 =	simm.s32 @!p1 $0x0  }
0x14: {  	s2 =	sld [smem:$0x3F9B];
	s0 =	simm.s32 @p1 $0x1  }
0x15: {  	[smem:$0x3FB8] =	sst s0;
	s0 =	simm.s32 @!p2 $0x0  }
0x16: {  	s3 =	sld [smem:$0x3FDB];
	s0 =	simm.s32 @p2 $0x1  }
0x17: {  	s4 =	simm.s32 $0x1BF5;
	[smem:$0x3FBA] =	sst s0  }
0x18: {  	s0 =	sld [smem:$0x3F9D];
	_ =	swait.ge [sflag:s4], $0x0  }
0x19: {  	s7 =	sld [smem:$0x3F9E]  }
0x1a: {  	s8 =	sadd.s32 $0xFFFFE003, lr  }
0x1b: {  	s9 =	sadd.s32 $0xFFFFFEF7, lr;
	s5 =	simm.s32 $0xFFFFFFFF;
	p2 =	slt.u32 s8, $0xFFFFF086  }
0x1c: {  	p1 =	slt.u32 s9, $0xF7A;
	s5 =	simm.s32 @!p2 $0x0  }
0x1d: {  	s5 =	simm.s32 @p1 $0x1;
	p0 =	seq.s32 s7, s2  }
0x1e: {  	s7 =	smul.u32 @!p0 $0xF7A, s2;
	p2 =	seq.s32 @!p0 s5, $0x0  }
0x1f: {  	s9 =	smul.u32 $0xF7A, s1;
	s8 =	simm.s32 @!p0 $0x1BF5;
	p2 =	por !p2, p0  }
0x20: {  	[sflag:s8] =	ssyncset.s32 @!p0 $0xFFFFF086;
	s6 =	sadd.s32 @!p0 s3, s7;
	s7 =	simm.s32 @!p0 $0x108  }
0x21: {  	s3 =	sadd.s32 s3, s9;
	s6 =	sadd.s32 @!p0 $0x88, s6;
	s7 =	simm.s32 @p2 $0x1082  }
0x22: {  	[simem:s7], [sflag:s8] =	dma.local @!p0 [hbm:s6], $0xF7A  }
0x23: {  	s9 =	sor.u32 $0xD0000000, s2;
	s6 =	simm.s32 $0x108;
	_ =	swait.ge @!p0 [sflag:s8], $0x0  }
0x24: {  	s3 =	sadd.s32 $0x88, s3;
	s6 =	simm.s32 @!p1 $0x1082;
	[sflag:s4] =	ssyncset.s32 $0xFFFFF086  }
0x25: {  	[simem:s6], [sflag:s4] =	dma.local [hbm:s3], $0xF7A  }
0x26: {  	[smem:$0x3F9E] =	sst s1;
	(tag) =	ssettag s2;
	_ =	strace s9  }
0x27: {  	s1 =	sld [smem:$0x3FAE]  }
0x28: {  	s2 =	sld [smem:$0x3FAF]  }
0x29: {  	s4 =	sld [smem:$0x3FB1]  }
0x2a: {  	p0 =	seq.s32 s5, $0x0;
	s5 =	sld [smem:$0x3FB2]  }
0x2b: {  	s6 =	sld [smem:$0x3FB3]  }
0x2c: {  	s7 =	sld [smem:$0x3FB4]  }
0x2d: {  	s3 =	simm.s32 $0x108;
	s8 =	sld [smem:$0x3FB5]  }
0x2e: {  	s3 =	simm.s32 @!p0 $0x1082;
	s9 =	sld [smem:$0x3FB6]  }
0x2f: {  	lr =	sadd.s32 s0, s3;
	s0 =	sld [smem:$0x3FAD]  }
0x30: {  	s3 =	sld [smem:$0x3FB0]  }
0x31: {  	[smem:$0x3FB9] =	sst s10  }
0x32: {  	s10 =	sld [smem:$0x3FB7];
	_ =	sdelay $0x3  }
0x33: {  	p0 =	seq.s32 s10, $0x1;
	s10 =	sld [smem:$0x3FB9];
	_ =	sdelay $0x3  }
0x34: {  	[smem:$0x3FB9] =	sst s10  }
0x35: {  	s10 =	sld [smem:$0x3FB8];
	_ =	sdelay $0x3  }
0x36: {  	p1 =	seq.s32 s10, $0x1;
	s10 =	sld [smem:$0x3FB9];
	_ =	sdelay $0x3  }
0x37: {  	[smem:$0x3FB9] =	sst s10  }
0x38: {  	s10 =	sld [smem:$0x3FBA]  }
0x39: {  	_ = 	snop;
	(pc) =	sbr.ind lr, $3  }
0x3a: {  	_ = 	snop  }
0x3b: {  	_ = 	snop  }
0x3c: {  	p2 =	seq.s32 s10, $0x1;
	s10 =	sld [smem:$0x3FB9]  }
0x3d: {  	_ =	shalt  }
0x3e: {  	_ =	shalt  }
0x3f: {  	_ =	shalt  }
0x40: {  	_ =	shalt  }
0x41: {  	_ =	shalt  }
0x42: {  	_ =	shalt  }
0x43: {  	_ =	shalt  }
0x44: {  	_ =	shalt  }
0x45: {  	_ =	shalt  }
0x46: {  	_ =	shalt  }
0x47: {  	_ =	shalt  }
0x48: {  	_ =	shalt  }
0x49: {  	_ =	shalt  }
0x4a: {  	_ =	shalt  }
0x4b: {  	_ =	shalt  }
0x4c: {  	_ =	shalt  }
0x4d: {  	_ =	shalt  }
0x4e: {  	_ =	shalt  }
0x4f: {  	_ =	shalt  }
0x50: {  	_ =	shalt  }
0x51: {  	_ =	shalt  }
0x52: {  	_ =	shalt  }
0x53: {  	_ =	shalt  }
0x54: {  	_ =	shalt  }
0x55: {  	_ =	shalt  }
0x56: {  	_ =	shalt  }
0x57: {  	_ =	shalt  }
0x58: {  	_ =	shalt  }
0x59: {  	_ =	shalt  }
0x5a: {  	_ =	shalt  }
0x5b: {  	_ =	shalt  }
0x5c: {  	_ =	shalt  }
0x5d: {  	_ =	shalt  }
0x5e: {  	_ =	shalt  }
0x5f: {  	_ =	shalt  }
0x60: {  	_ =	shalt  }
0x61: {  	_ =	shalt  }
0x62: {  	_ =	shalt  }
0x63: {  	_ =	shalt  }
0x64: {  	_ =	shalt  }
0x65: {  	_ =	shalt  }
0x66: {  	_ =	shalt  }
0x67: {  	_ =	shalt  }
0x68: {  	_ =	shalt  }
0x69: {  	_ =	shalt  }
0x6a: {  	_ =	shalt  }
0x6b: {  	_ =	shalt  }
0x6c: {  	_ =	shalt  }
0x6d: {  	_ =	shalt  }
0x6e: {  	_ =	shalt  }
0x6f: {  	_ =	shalt  }
0x70: {  	_ =	shalt  }
0x71: {  	_ =	shalt  }
0x72: {  	_ =	shalt  }
0x73: {  	_ =	shalt  }
0x74: {  	_ =	shalt  }
0x75: {  	_ =	shalt  }
0x76: {  	_ =	shalt  }
0x77: {  	_ =	shalt  }
0x78: {  	_ =	shalt  }
0x79: {  	_ =	shalt  }
0x7a: {  	_ =	shalt  }
0x7b: {  	_ =	shalt  }
0x7c: {  	_ =	shalt  }
0x7d: {  	_ =	shalt  }
0x7e: {  	_ =	shalt  }
0x7f: {  	_ =	shalt  }
0x80: {  	_ =	shalt  }
0x81: {  	_ =	shalt  }
0x82: {  	_ =	shalt  }
0x83: {  	_ =	shalt  }
0x84: {  	_ =	shalt  }
0x85: {  	_ =	shalt  }
0x86: {  	_ =	shalt  }
0x87: {  	_ =	shalt  }
.Lfunc_end0:
.L_simem_size_0:
called_computation_lowered:
.L_overlay_start_0:
0x88: {  	s2 =	sld [smem:$0x3FD9]  }
0x89: {  	s3 =	sld [smem:$0x3FFE];
	_ =	sdelay $0x1  }
0x8a: {  	s1 =	srdreg.scid  }
0x8b: {  	s0 =	sand.u32 $0x1, s1  }
0x8c: {  	s18 =	sshll.u32 s0, $0xA;
	s2 =	sadd.s32 s3, s2  }
0x8d: {  	s2 =	sadd.s32 s2, s18  }
0x8e: {  	[smem:$0x3FC5] =	sst s2  }
0x8f: {  	_ = 	snop  }
0x90: {  	s2 =	sld [smem:$0x3FC9]  }
0x91: {  	s19 =	sld [smem:$0x3FC8]  }
0x92: {  	s4 =	sld [smem:$0x3FC7]  }
0x93: {  	s5 =	sld [smem:$0x3FD0];
	(tm) =	ssettm $0x1  }
0x94: {  	s6 =	sld [smem:$0x3FFB];
	_ =	sdelay $0x3  }
0x95: {  	_ =	strace s6  }
0x96: {  	s6 =	sld [smem:$0x3FFC];
	_ =	sdelay $0x3  }
0x97: {  	_ =	strace s6  }
0x98: {  	s6 =	sld [smem:$0x3FFD];
	_ =	sdelay $0x3  }
0x99: {  	_ =	strace s6  }
0x9a: {  	_ =	strace $0x8FFFFFFF  }
0x9b: {  	s20 =	sld [smem:$0x3FDB];
	_ =	sdelay $0x1  }
0x9c: {  	s7 =	simm.s32 $_scs_section_size  }
0x9d: {  	s8 =	simm.s32 $_size__tile_overlayer_lowered;
	s9 =	simm.s32 $_tile_overlayer_lowered  }
0x9e: {  	s23 =	simm.s32 $0x1BFF;
	s22 =	sshll.u32 s9, $0x1;
	s6 =	sadd.s32 s7, s20  }
0x9f: {  	s10 =	simm.s32 $0x0;
	s21 =	sshll.u32 s8, $0x1;
	s8 =	sadd.s32 s22, s6  }
0xa0: {  	[timem:s10], [sflag:s23] =	dma.local [hbm:s8], s21  }
0xa1: {  	_ =	swait.ge [sflag:s23], s21  }
0xa2: {  	s7 =	ssub.s32 $0x0, s21;
	[sflag:s23] =	ssyncset.done $0x0  }
0xa3: {  	[sflag:s23] =	ssyncadd.s32 s7;
	_ =	sdelay $0x1  }
0xa4: {  	s24 =	simm.s32 $0x1B8B  }
0xa5: {  	_ =	swait.ge [sflag:s24], $0x1  }
0xa6: {  	[sflag:s24] =	ssyncset.done $0x0  }
0xa7: {  	s25 =	simm.s32 $0x1B8E;
	[sflag:s24] =	ssyncadd.s32 $0xFFFFFFFF  }
0xa8: {  	s26 =	simm.s32 $execute0_lowered;
	[smem:$0x3FD2] =	sst s25  }
0xa9: {  	s7 =	sshll.u32 s26, $0x1;
	_ =	strace $0x80000046;
	[dreg:$0x1] =	wrdreg $0xFFFFFFFF  }
0xaa: {  	s28 =	simm.s32 $_size_execute0_lowered;
	s6 =	sadd.s32 s6, s7;
	[dreg:$0x0] =	wrdreg $0x0  }
0xab: {  	s7 =	sshll.u32 s28, $0x1;
	[dreg:$0x2] =	wrdreg s6  }
0xac: {  	[dreg:$0x3] =	wrdreg s7  }
0xad: {  	[dreg:$0x4] =	wrdreg $0xC0  }
0xae: {  	_ =	task [dreg:s10], $0x5FFFF  }
0xaf: {  	[dreg:$0x1] =	wrdreg $0xFFFFFFFF  }
0xb0: {  	[dreg:$0x0] =	wrdreg $0x60  }
0xb1: {  	[dreg:$0x2] =	wrdreg s2  }
0xb2: {  	[dreg:$0x3] =	wrdreg s19  }
0xb3: {  	[dreg:$0x4] =	wrdreg s4  }
0xb4: {  	[dreg:$0x5] =	wrdreg s5  }
0xb5: {  	[dreg:$0x6] =	wrdreg $0x9  }
0xb6: {  	_ =	task.clear_ibuf [dreg:s10], $0x7FFFF;
	_ =	strace $0x90000046  }
0xb7: {  	s29 =	simm.s32 $0x9;
	_ =	strace $0x80000048  }
0xb8: {  	_ =	swait.ge [sflag:s29], $0x1  }
0xb9: {  	[sflag:s29] =	ssyncadd.s32 $0xFFFFFFFF  }
0xba: {  	_ =	strace $0x90000048  }
0xbb: {  	_ =	sfence  }
0xbc: {  	s30 =	sld [smem:$0x0];
	_ =	sdelay $0x2  }
0xbd: {  	s31 =	sshll.u32 s1, $0xD;
	s1 =	sshrl.u32 s1, $0x2  }
0xbe: {  	s3 =	sand.u32 $0x4000, s31;
	s1 =	sadd.s32 s1, s30  }
0xbf: {  	s0 =	sor.u32 s3, s0;
	s1 =	sshll.u32 s1, $0x11  }
0xc0: {  	s0 =	sor.u32 s1, s0  }
0xc1: {  	s0 =	sadd.s32 $0x8F2B, s0  }
0xc2: {  	[sflag:s0] =	ssyncadd.remote.s32 $0x1  }
0xc3: {  	_ =	sfence.sel $0xFFFF  }
0xc4: {  	[dreg:$0x0] =	wrdreg $0xFFFFFFFF;
	(pc) =	sbr.abs _section_cstart, $3  }
0xc5: {  	[dreg:$0x1] =	wrdreg $0xFFFFFFFF  }
0xc6: {  	_ =	task.clear_ibuf [dreg:s10], $0x2FFFF;
	_ =	strace $0x9FFFFFFF  }
0xc7: {  	(tm) =	ssettm $0x7FFFFFFF  }
tec
execute0_lowered:
.L_overlay_start_1:
0x0: {  	(tag) =	ssettag $0x1  }
0x1: {  	v0 =	vlaneseq.u32;
	v1 =	vimm.s32 $0x1380  }
0x2: {  	vm0 =	vcmask $0x300;
	v2 =	vimm.s32 $0x3380;
	vm1 =	vcmask $0x704  }
0x3: {  	vm15 =	vcmask $0xB08;
	vm4 =	vcmask $0xF0C;
	vm5 =	vcmask $0x1310  }
0x4: {  	vm6 =	vcmask $0x1714;
	vm7 =	vcmask $0x1B18;
	vm8 =	vcmask $0x1F1C  }
0x5: {  	vm9 =	vcmask $0x2320;
	vm10 =	vcmask $0x2724;
	vm11 =	vcmask $0x2B28  }
0x6: {  	vm12 =	vcmask $0x2F2C;
	vm13 =	vcmask $0x3330;
	v1 =	vsel vm0, $0x0, v1  }
0x7: {  	v0 =	vmul.u32 $0x80, v0;
	v2 =	vsel vm0, $0x2000, v2;
	v1 =	vsel vm1, $0x80, v1  }
0x8: {  	s4 =	rddreg [dreg:$0x0];
	vm14 =	vcmask $0x3734;
	v2 =	vsel vm1, $0x2080, v2;
	v1 =	vsel vm15, $0x100, v1  }
0x9: {  	s5 =	rddreg [dreg:$0x1];
	v2 =	vsel vm15, $0x2100, v2;
	vm15 =	vcmask $0x3B38;
	v4 =	vor.u32 $0x1000, v0  }
0xa: {  	s0 =	rddreg [dreg:$0x2];
	v5 =	vor.u32 $0x1800, v0;
	v6 =	vor.u32 $0x2000, v0;
	v7 =	vor.u32 $0x2800, v0  }
0xb: {  	s2 =	srdreg.scid;
	s6 =	rddreg [dreg:$0x3];
	v8 =	vor.u32 $0x3000, v0;
	v9 =	vor.u32 $0x3800, v0;
	v10 =	vor.u32 $0x4000, v0  }
0xc: {  	s1 =	stileid.u32;
	s3 =	simm.s32 $0x0;
	s11 =	simm.s32 $0x8400;
	v11 =	vor.u32 $0x4800, v0;
	v12 =	vor.u32 $0x5000, v0;
	v13 =	vor.u32 $0x5800, v0  }
0xd: {  	s12 =	simm.s32 $0x9400;
	s13 =	simm.s32 $0xA400;
	s14 =	simm.s32 $0xB400;
	v14 =	vor.u32 $0x6000, v0;
	v15 =	vor.u32 $0x6800, v0;
	v16 =	vor.u32 $0x7000, v0  }
0xe: {  	s15 =	simm.s32 $0xC400;
	s16 =	simm.s32 $0xD400;
	s17 =	simm.s32 $0xE400;
	v17 =	vor.u32 $0x7800, v0;
	v18 =	vor.u32 $0x8000, v0;
	v19 =	vor.u32 $0x8800, v0  }
0xf: {  	s19 =	simm.s32 $0xF400;
	s18 =	simm.s32 $0x7400;
	s20 =	simm.s32 $0x10400;
	v20 =	vor.u32 $0x9000, v0;
	v21 =	vor.u32 $0x9800, v0;
	v22 =	vor.u32 $0xA000, v0  }
0x10: {  	s21 =	simm.s32 $0x2;
	s22 =	simm.s32 $0x1000;
	[smem:$0x7FF] =	sst s3;
	v23 =	vor.u32 $0xA800, v0;
	v1 =	vsel vm4, $0x180, v1;
	v2 =	vsel vm4, $0x2180, v2  }
0x11: {  	s23 =	simm.s32 $0x20000;
	_ =	strace $0x80000047;
	[dreg:$0x5] =	wrdreg s11;
	v24 =	vor.u32 $0xB000, v0;
	v1 =	vsel vm5, $0x200, v1;
	v2 =	vsel vm5, $0x2200, v2  }
0x12: {  	s24 =	simm.s32 $0x0;
	s7 =	sand.u32 $0x1, s2;
	[dreg:$0x6] =	wrdreg s12;
	v25 =	vor.u32 $0xB800, v0;
	v1 =	vsel vm6, $0x280, v1;
	v2 =	vsel vm6, $0x2280, v2  }
0x13: {  	s8 =	sshll.u32 s1, $0xA;
	s9 =	sshll.u32 s7, $0x9;
	[dreg:$0x7] =	wrdreg s13;
	v26 =	vor.u32 $0xC000, v0;
	v1 =	vsel vm7, $0x300, v1;
	v2 =	vsel vm7, $0x2300, v2  }
0x14: {  	s7 =	ssub.s32 $0x2, s7;
	s11 =	simm.s32 $0x400;
	[dreg:$0x8] =	wrdreg s14;
	v27 =	vor.u32 $0xC800, v0;
	v1 =	vsel vm8, $0x380, v1;
	v2 =	vsel vm8, $0x2380, v2  }
0x15: {  	s12 =	simm.s32 $0x1400;
	s13 =	simm.s32 $0x2400;
	[dreg:$0x9] =	wrdreg s15;
	v28 =	vor.u32 $0xD000, v0;
	v1 =	vsel vm9, $0x1000, v1;
	v2 =	vsel vm9, $0x3000, v2  }
0x16: {  	s14 =	simm.s32 $0x3400;
	s15 =	simm.s32 $0x4400;
	[dreg:$0xa] =	wrdreg s16;
	v29 =	vor.u32 $0xD800, v0;
	v1 =	vsel vm10, $0x1080, v1;
	v2 =	vsel vm10, $0x3080, v2  }
0x17: {  	s16 =	simm.s32 $0x5400;
	[dreg:$0xb] =	wrdreg s17;
	s17 =	simm.s32 $0x6400;
	v30 =	vor.u32 $0xE000, v0;
	v1 =	vsel vm11, $0x1100, v1;
	v2 =	vsel vm11, $0x3100, v2  }
0x18: {  	[dreg:$0xc] =	wrdreg s19;
	s8 =	sor.u32 s9, s8;
	s31 =	sshrl.u32 s7, $0x1;
	v31 =	vor.u32 $0xE800, v0;
	v1 =	vsel vm12, $0x1180, v1;
	v2 =	vsel vm12, $0x3180, v2  }
0x19: {  	s19 =	simm.s32 $0x1;
	v32 =	vor.u32 $0xF000, v0;
	s10 =	sshrl.u32 s8, $0x3;
	s7 =	ssub.s32 s7, s31;
	v1 =	vsel vm13, $0x1200, v1;
	v2 =	vsel vm13, $0x3200, v2  }
0x1a: {  	v33 =	vor.u32 $0xF800, v0;
	s6 =	sadd.s32 s6, s8;
	s8 =	simm.s32 $0x3;
	s4 =	sadd.s32 s4, s10;
	v1 =	vsel vm14, $0x1280, v1;
	v3 =	vsel vm14, $0x3280, v2  }
0x1b: {  	s5 =	sadd.s32 s5, s10;
	s7 =	smax.u32 s7, $0x1;
	s10 =	simm.s32 $0x7A1400;
	v2 =	vor.u32 $0x800, v0;
	v1 =	vsel vm15, $0x1300, v1;
	v3 =	vsel vm15, $0x3300, v3  }
.LBB2_1:
0x1c: {  	[tilespmem:s3], [sflag:$0x3] =	stream.linear.gather [hbm4b:s4+s3], $0x200, $0x38;
	[tilespmem:$0x14400] =	vst v63  }
0x1d: {  	_ =	swait.ge [sflag:s8], $0x200  }
0x1e: {  	[sflag:s8] =	ssyncset.done $0x0  }
0x1f: {  	s1 =	simm.s32 $0x200;
	[sflag:s8] =	ssyncadd.s32 $0xFFFFFE00  }
0x20: {  	[tilespmem:s1], [sflag:$0x3] =	stream.linear.gather [hbm4b:s5+s3], $0x200, $0x38;
	[tilespmem:$0x14400] =	vst v63  }
0x21: {  	_ =	swait.ge [sflag:s8], $0x200  }
0x22: {  	[sflag:s8] =	ssyncset.done $0x0  }
0x23: {  	[sflag:s8] =	ssyncadd.s32 $0xFFFFFE00  }
0x24: {  	v34 =	vld [tilespmem:$0x0];
	_ =	sdelay $0x1  }
0x25: {  	v35 =	vld [tilespmem:$0x200];
	_ =	sdelay $0x2  }
0x26: {  	v34 =	vmul.u32 $0x3E8, v34;
	_ =	sdelay $0x1  }
0x27: {  	v34 =	vadd.s32 v35, v34  }
0x28: {  	v34 =	vand.u32 $0xFFFFFF80, v34  }
0x29: {  	v34 =	vadd.s32 s0, v34  }
0x2a: {  	(v2sf) =	vpush v34, $0x0;
	_ =	sdelay $0x1  }
0x2b: {  	(v2sf) =	vpush v34, $0x1;
	_ =	sdelay $0x1  }
0x2c: {  	(v2sf) =	vpush v34, $0x2;
	_ =	sdelay $0x1  }
0x2d: {  	(v2sf) =	vpush v34, $0x3;
	_ =	sdelay $0x1  }
0x2e: {  	(v2sf) =	vpush v34, $0x4;
	_ =	sdelay $0x1  }
0x2f: {  	(v2sf) =	vpush v34, $0x5;
	_ =	sdelay $0x1  }
0x30: {  	(v2sf) =	vpush v34, $0x6;
	_ =	sdelay $0x1  }
0x31: {  	(v2sf) =	vpush v34, $0x7  }
0x32: {  	s25 =	spop (v2sf)  }
0x33: {  	[tilespmem:s11], [sflag:$0x1] =	stream.strided.gather [hbm4b:s25+s11], $0x1000, s10, s11, $0x38;
	[tilespmem:$0x14400] =	vst v63  }
0x34: {  	s1 =	spop (v2sf)  }
0x35: {  	[tilespmem:s12], [sflag:$0x1] =	stream.strided.gather [hbm4b:s1+s11], $0x1000, s10, s11, $0x38;
	[tilespmem:$0x14400] =	vst v63  }
0x36: {  	s2 =	spop (v2sf)  }
0x37: {  	[tilespmem:s13], [sflag:$0x1] =	stream.strided.gather [hbm4b:s2+s11], $0x1000, s10, s11, $0x38;
	[tilespmem:$0x14400] =	vst v63  }
0x38: {  	s9 =	spop (v2sf)  }
0x39: {  	[tilespmem:s14], [sflag:$0x1] =	stream.strided.gather [hbm4b:s9+s11], $0x1000, s10, s11, $0x38;
	[tilespmem:$0x14400] =	vst v63  }
0x3a: {  	s26 =	spop (v2sf)  }
0x3b: {  	[tilespmem:s15], [sflag:$0x1] =	stream.strided.gather [hbm4b:s26+s11], $0x1000, s10, s11, $0x38;
	[tilespmem:$0x14400] =	vst v63  }
0x3c: {  	s29 =	spop (v2sf)  }
0x3d: {  	[tilespmem:s16], [sflag:$0x1] =	stream.strided.gather [hbm4b:s29+s11], $0x1000, s10, s11, $0x38;
	[tilespmem:$0x14400] =	vst v63  }
0x3e: {  	s30 =	spop (v2sf)  }
0x3f: {  	[tilespmem:s17], [sflag:$0x1] =	stream.strided.gather [hbm4b:s30+s11], $0x1000, s10, s11, $0x38;
	[tilespmem:$0x14400] =	vst v63  }
0x40: {  	s25 =	simm.s32 $0x10;
	s31 =	spop (v2sf)  }
0x41: {  	[tilespmem:s18], [sflag:$0x1] =	stream.strided.gather [hbm4b:s31+s11], $0x1000, s10, s11, $0x38;
	[tilespmem:$0x14400] =	vst v63  }
0x42: {  	v44 =	vld [tilespmem:s25+$0xFFFFFFF0]  }
0x43: {  	s26 =	simm.s32 $0x210  }
0x44: {  	v45 =	vld [tilespmem:s26+$0xFFFFFFF0];
	_ =	sdelay $0x2  }
0x45: {  	v34 =	vmul.u32 $0x3E8, v44;
	_ =	sdelay $0x1  }
0x46: {  	v34 =	vadd.s32 v45, v34  }
0x47: {  	v35 =	vand.u32 $0xFFFFFF80, v34  }
0x48: {  	v35 =	vadd.s32 s0, v35  }
0x49: {  	(v2sf) =	vpush v35, $0x8;
	_ =	sdelay $0x1  }
0x4a: {  	(v2sf) =	vpush v35, $0x9;
	_ =	sdelay $0x1  }
0x4b: {  	(v2sf) =	vpush v35, $0xA;
	_ =	sdelay $0x1  }
0x4c: {  	(v2sf) =	vpush v35, $0xB;
	_ =	sdelay $0x1  }
0x4d: {  	(v2sf) =	vpush v35, $0xC;
	_ =	sdelay $0x1  }
0x4e: {  	(v2sf) =	vpush v35, $0xD;
	_ =	sdelay $0x1  }
0x4f: {  	(v2sf) =	vpush v35, $0xE;
	_ =	sdelay $0x1  }
0x50: {  	(v2sf) =	vpush v35, $0xF  }
0x51: {  	s28 =	rddreg [dreg:$0x5];
	s30 =	spop (v2sf)  }
0x52: {  	[tilespmem:s28], [sflag:$0x2] =	stream.strided.gather [hbm4b:s30+s11], $0x1000, s10, s11, $0x38;
	[tilespmem:$0x14400] =	vst v63  }
0x53: {  	s29 =	rddreg [dreg:$0x6];
	s1 =	spop (v2sf)  }
0x54: {  	[tilespmem:s29], [sflag:$0x2] =	stream.strided.gather [hbm4b:s1+s11], $0x1000, s10, s11, $0x38;
	[tilespmem:$0x14400] =	vst v63  }
0x55: {  	s28 =	rddreg [dreg:$0x7];
	s9 =	spop (v2sf)  }
0x56: {  	[tilespmem:s28], [sflag:$0x2] =	stream.strided.gather [hbm4b:s9+s11], $0x1000, s10, s11, $0x38;
	[tilespmem:$0x14400] =	vst v63  }
0x57: {  	s2 =	rddreg [dreg:$0x8];
	s31 =	spop (v2sf)  }
0x58: {  	[tilespmem:s2], [sflag:$0x2] =	stream.strided.gather [hbm4b:s31+s11], $0x1000, s10, s11, $0x38;
	[tilespmem:$0x14400] =	vst v63  }
0x59: {  	s28 =	rddreg [dreg:$0x9];
	s2 =	spop (v2sf)  }
0x5a: {  	[tilespmem:s28], [sflag:$0x2] =	stream.strided.gather [hbm4b:s2+s11], $0x1000, s10, s11, $0x38;
	[tilespmem:$0x14400] =	vst v63  }
0x5b: {  	s1 =	rddreg [dreg:$0xa];
	s9 =	spop (v2sf)  }
0x5c: {  	v34 =	vand.u32 $0x7F, v34;
	[tilespmem:s1], [sflag:$0x2] =	stream.strided.gather [hbm4b:s9+s11], $0x1000, s10, s11, $0x38;
	[tilespmem:$0x14400] =	vst v63  }
0x5d: {  	v46 =	vbroadcast v34, $0x0;
	s28 =	rddreg [dreg:$0xb];
	s1 =	spop (v2sf)  }
0x5e: {  	[tilespmem:s28], [sflag:$0x2] =	stream.strided.gather [hbm4b:s1+s11], $0x1000, s10, s11, $0x38;
	[tilespmem:$0x14400] =	vst v63  }
0x5f: {  	v36 =	vor.u32 v0, v46;
	s31 =	rddreg [dreg:$0xc];
	s2 =	spop (v2sf);
	s28 =	simm.s32 $0x0  }
0x60: {  	v37 =	vmov s28;
	[tilespmem:s31], [sflag:$0x2] =	stream.strided.gather [hbm4b:s2+s11], $0x1000, s10, s11, $0x38;
	[tilespmem:$0x14400] =	vst v63  }
0x61: {  	v38 =	vshll.u32 v37, $0x3;
	_ =	swait.ge [sflag:s19], $0x8000  }
0x62: {  	v37 =	vand.u32 $0x70, v37;
	v38 =	vand.u32 $0xC00, v38;
	[sflag:s19] =	ssyncset.done $0x0  }
0x63: {  	v37 =	vor.u32 v37, v38;
	[sflag:s19] =	ssyncadd.s32 $0xFFFF8000  }
0x64: {  	v38 =	vor.u32 v1, v37;
	v36 =	vld.idx.msk [tilespmem:v36+s11+$0x0], $0xffff  }
0x65: {  	v35 =	vor.u32 v2, v46;
	_ =	sdelay $0x3  }
0x66: {  	v39 =	vbroadcast v34, $0x1;
	[tilespmem:v38+s20+$0x0] =	vst.idx.msk $0xffff, v36  }
0x67: {  	v47 =	vor.u32 v3, v37;
	v35 =	vld.idx.msk [tilespmem:v35+s11+$0x0], $0xffff  }
0x68: {  	v48 =	vor.u32 v4, v39;
	s28 =	simm.s32 $0x1  }
0x69: {  	v49 =	vmov s28  }
0x6a: {  	v40 =	vshll.u32 v49, $0x3  }
0x6b: {  	v40 =	vand.u32 $0xC00, v40;
	v38 =	vand.u32 $0x71, v49  }
0x6c: {  	v50 =	vor.u32 v38, v40;
	[tilespmem:v47+s20+$0x0] =	vst.idx.msk $0xffff, v35  }
0x6d: {  	v51 =	vor.u32 v1, v50;
	v36 =	vld.idx.msk [tilespmem:v48+s11+$0x0], $0xffff  }
0x6e: {  	v52 =	vor.u32 v5, v39;
	_ =	sdelay $0x3  }
0x6f: {  	v53 =	vbroadcast v34, $0x2;
	[tilespmem:v51+s20+$0x0] =	vst.idx.msk $0xffff, v36  }
0x70: {  	v35 =	vor.u32 v3, v50;
	v36 =	vld.idx.msk [tilespmem:v52+s11+$0x0], $0xffff  }
0x71: {  	v54 =	vor.u32 v6, v53;
	s28 =	simm.s32 $0x2  }
0x72: {  	v55 =	vmov s28  }
0x73: {  	v56 =	vshll.u32 v55, $0x3  }
0x74: {  	v38 =	vand.u32 $0x72, v55;
	v40 =	vand.u32 $0xC00, v56  }
0x75: {  	v57 =	vor.u32 v38, v40;
	[tilespmem:v35+s20+$0x0] =	vst.idx.msk $0xffff, v36  }
0x76: {  	v58 =	vor.u32 v1, v57;
	v36 =	vld.idx.msk [tilespmem:v54+s11+$0x0], $0xffff  }
0x77: {  	v59 =	vor.u32 v7, v53;
	_ =	sdelay $0x3  }
0x78: {  	v60 =	vbroadcast v34, $0x3;
	[tilespmem:v58+s20+$0x0] =	vst.idx.msk $0xffff, v36  }
0x79: {  	v35 =	vor.u32 v3, v57;
	v36 =	vld.idx.msk [tilespmem:v59+s11+$0x0], $0xffff  }
0x7a: {  	v61 =	vor.u32 v8, v60;
	s28 =	simm.s32 $0x3  }
0x7b: {  	v62 =	vmov s28  }
0x7c: {  	v63 =	vshll.u32 v62, $0x3  }
0x7d: {  	v38 =	vand.u32 $0x73, v62;
	v40 =	vand.u32 $0xC00, v63  }
0x7e: {  	v44 =	vor.u32 v38, v40;
	[tilespmem:v35+s20+$0x0] =	vst.idx.msk $0xffff, v36  }
0x7f: {  	v45 =	vor.u32 v1, v44;
	v36 =	vld.idx.msk [tilespmem:v61+s11+$0x0], $0xffff  }
0x80: {  	v46 =	vor.u32 v9, v60;
	_ =	sdelay $0x3  }
0x81: {  	v47 =	vbroadcast v34, $0x4;
	[tilespmem:v45+s20+$0x0] =	vst.idx.msk $0xffff, v36  }
0x82: {  	v35 =	vor.u32 v3, v44;
	v36 =	vld.idx.msk [tilespmem:v46+s11+$0x0], $0xffff  }
0x83: {  	s28 =	simm.s32 $0x4;
	v48 =	vor.u32 v10, v47  }
0x84: {  	v49 =	vmov s28  }
0x85: {  	v50 =	vshll.u32 v49, $0x3  }
0x86: {  	v38 =	vand.u32 $0x74, v49;
	v40 =	vand.u32 $0xC00, v50  }
0x87: {  	v51 =	vor.u32 v38, v40;
	[tilespmem:v35+s20+$0x0] =	vst.idx.msk $0xffff, v36  }
0x88: {  	v52 =	vor.u32 v1, v51;
	v36 =	vld.idx.msk [tilespmem:v48+s11+$0x0], $0xffff  }
0x89: {  	v53 =	vor.u32 v11, v47;
	_ =	sdelay $0x3  }
0x8a: {  	v54 =	vbroadcast v34, $0x5;
	[tilespmem:v52+s20+$0x0] =	vst.idx.msk $0xffff, v36  }
0x8b: {  	v35 =	vor.u32 v3, v51;
	v36 =	vld.idx.msk [tilespmem:v53+s11+$0x0], $0xffff  }
0x8c: {  	s28 =	simm.s32 $0x5;
	v55 =	vor.u32 v12, v54  }
0x8d: {  	v56 =	vmov s28  }
0x8e: {  	v57 =	vshll.u32 v56, $0x3  }
0x8f: {  	v38 =	vand.u32 $0x75, v56;
	v40 =	vand.u32 $0xC00, v57  }
0x90: {  	v58 =	vor.u32 v38, v40;
	[tilespmem:v35+s20+$0x0] =	vst.idx.msk $0xffff, v36  }
0x91: {  	v59 =	vor.u32 v1, v58;
	v36 =	vld.idx.msk [tilespmem:v55+s11+$0x0], $0xffff  }
0x92: {  	v60 =	vor.u32 v13, v54;
	_ =	sdelay $0x3  }
0x93: {  	v61 =	vbroadcast v34, $0x6;
	[tilespmem:v59+s20+$0x0] =	vst.idx.msk $0xffff, v36  }
0x94: {  	v35 =	vor.u32 v3, v58;
	v36 =	vld.idx.msk [tilespmem:v60+s11+$0x0], $0xffff  }
0x95: {  	s28 =	simm.s32 $0x6;
	v62 =	vor.u32 v14, v61  }
0x96: {  	v63 =	vmov s28  }
0x97: {  	v44 =	vshll.u32 v63, $0x3  }
0x98: {  	v38 =	vand.u32 $0x76, v63;
	v40 =	vand.u32 $0xC00, v44  }
0x99: {  	v45 =	vor.u32 v38, v40;
	[tilespmem:v35+s20+$0x0] =	vst.idx.msk $0xffff, v36  }
0x9a: {  	v46 =	vor.u32 v1, v45;
	v36 =	vld.idx.msk [tilespmem:v62+s11+$0x0], $0xffff  }
0x9b: {  	v47 =	vor.u32 v15, v61;
	_ =	sdelay $0x3  }
0x9c: {  	v48 =	vbroadcast v34, $0x7;
	[tilespmem:v46+s20+$0x0] =	vst.idx.msk $0xffff, v36  }
0x9d: {  	v35 =	vor.u32 v3, v45;
	v36 =	vld.idx.msk [tilespmem:v47+s11+$0x0], $0xffff  }
0x9e: {  	s28 =	simm.s32 $0x7;
	v49 =	vor.u32 v16, v48  }
0x9f: {  	v50 =	vmov s28  }
0xa0: {  	v51 =	vshll.u32 v50, $0x3  }
0xa1: {  	v38 =	vand.u32 $0x77, v50;
	v40 =	vand.u32 $0xC00, v51  }
0xa2: {  	v52 =	vor.u32 v38, v40;
	[tilespmem:v35+s20+$0x0] =	vst.idx.msk $0xffff, v36  }
0xa3: {  	v53 =	vor.u32 v1, v52;
	v36 =	vld.idx.msk [tilespmem:v49+s11+$0x0], $0xffff  }
0xa4: {  	v54 =	vor.u32 v17, v48;
	_ =	sdelay $0x3  }
0xa5: {  	[tilespmem:v53+s20+$0x0] =	vst.idx.msk $0xffff, v36  }
0xa6: {  	v35 =	vor.u32 v3, v52;
	v36 =	vld.idx.msk [tilespmem:v54+s11+$0x0], $0xffff;
	_ =	sdelay $0x4  }
0xa7: {  	p0 =	por $0x0, $0x0;
	[tilespmem:v35+s20+$0x0] =	vst.idx.msk $0xffff, v36  }
0xa8: {  	v35 =	vld @!p0 [tilespmem:s25+$0x0];
	_ =	sdelay $0x1  }
0xa9: {  	v36 =	vld @!p0 [tilespmem:s26+$0x0];
	_ =	sdelay $0x2  }
0xaa: {  	v35 =	vmul.u32 @!p0 $0x3E8, v35;
	_ =	sdelay $0x1  }
0xab: {  	v35 =	vadd.s32 @!p0 v36, v35  }
0xac: {  	v35 =	vand.u32 @!p0 $0xFFFFFF80, v35  }
0xad: {  	v35 =	vadd.s32 @!p0 s0, v35  }
0xae: {  	(v2sf) =	vpush @!p0 v35, $0x0;
	_ =	sdelay $0x1  }
0xaf: {  	(v2sf) =	vpush @!p0 v35, $0x1;
	_ =	sdelay $0x1  }
0xb0: {  	(v2sf) =	vpush @!p0 v35, $0x2;
	_ =	sdelay $0x1  }
0xb1: {  	(v2sf) =	vpush @!p0 v35, $0x3;
	_ =	sdelay $0x1  }
0xb2: {  	(v2sf) =	vpush @!p0 v35, $0x4;
	_ =	sdelay $0x1  }
0xb3: {  	(v2sf) =	vpush @!p0 v35, $0x5;
	_ =	sdelay $0x1  }
0xb4: {  	(v2sf) =	vpush @!p0 v35, $0x6;
	_ =	sdelay $0x1  }
0xb5: {  	(v2sf) =	vpush @!p0 v35, $0x7  }
0xb6: {  	s29 =	simm.s32 @!p0 $0x400;
	s28 =	simm.s32 @!p0 $0x7A1400;
	s30 =	spop @!p0 (v2sf)  }
0xb7: {  	[tilespmem:s29], [sflag:$0x1] =	stream.strided.gather @!p0 [hbm4b:s30+s29], $0x1000, s28, s29, $0x38;
	[tilespmem:$0x14400] =	vst v63  }
0xb8: {  	s30 =	simm.s32 @!p0 $0x1400;
	s31 =	spop @!p0 (v2sf)  }
0xb9: {  	[tilespmem:s30], [sflag:$0x1] =	stream.strided.gather @!p0 [hbm4b:s31+s29], $0x1000, s28, s29, $0x38;
	[tilespmem:$0x14400] =	vst v63  }
0xba: {  	s30 =	simm.s32 @!p0 $0x2400;
	s31 =	spop @!p0 (v2sf)  }
0xbb: {  	[tilespmem:s30], [sflag:$0x1] =	stream.strided.gather @!p0 [hbm4b:s31+s29], $0x1000, s28, s29, $0x38;
	[tilespmem:$0x14400] =	vst v63  }
0xbc: {  	s30 =	simm.s32 @!p0 $0x3400;
	s31 =	spop @!p0 (v2sf)  }
0xbd: {  	[tilespmem:s30], [sflag:$0x1] =	stream.strided.gather @!p0 [hbm4b:s31+s29], $0x1000, s28, s29, $0x38;
	[tilespmem:$0x14400] =	vst v63  }
0xbe: {  	s30 =	simm.s32 @!p0 $0x4400;
	s31 =	spop @!p0 (v2sf)  }
0xbf: {  	[tilespmem:s30], [sflag:$0x1] =	stream.strided.gather @!p0 [hbm4b:s31+s29], $0x1000, s28, s29, $0x38;
	[tilespmem:$0x14400] =	vst v63  }
0xc0: {  	s30 =	simm.s32 @!p0 $0x5400;
	s31 =	spop @!p0 (v2sf)  }
0xc1: {  	[tilespmem:s30], [sflag:$0x1] =	stream.strided.gather @!p0 [hbm4b:s31+s29], $0x1000, s28, s29, $0x38;
	[tilespmem:$0x14400] =	vst v63  }
0xc2: {  	v55 =	vbroadcast v34, $0x8;
	s30 =	simm.s32 @!p0 $0x6400;
	s31 =	spop @!p0 (v2sf)  }
0xc3: {  	[tilespmem:s30], [sflag:$0x1] =	stream.strided.gather @!p0 [hbm4b:s31+s29], $0x1000, s28, s29, $0x38;
	[tilespmem:$0x14400] =	vst v63  }
0xc4: {  	s9 =	simm.s32 $0x8;
	v56 =	vor.u32 v18, v55;
	s2 =	spop @!p0 (v2sf);
	s30 =	simm.s32 @!p0 $0x7400  }
0xc5: {  	v57 =	vmov s9;
	[tilespmem:s30], [sflag:$0x1] =	stream.strided.gather @!p0 [hbm4b:s2+s29], $0x1000, s28, s29, $0x38;
	[tilespmem:$0x14400] =	vst v63  }
0xc6: {  	v58 =	vshll.u32 v57, $0x3;
	_ =	swait.ge [sflag:s21], $0x8000  }
0xc7: {  	v37 =	vand.u32 $0x78, v57;
	v38 =	vand.u32 $0xC00, v58;
	[sflag:s21] =	ssyncset.done $0x0  }
0xc8: {  	v37 =	vor.u32 v37, v38;
	[sflag:s21] =	ssyncadd.s32 $0xFFFF8000  }
0xc9: {  	v38 =	vor.u32 v1, v37;
	v36 =	vld.idx.msk [tilespmem:v56+s11+$0x0], $0xffff  }
0xca: {  	v35 =	vor.u32 v19, v55;
	_ =	sdelay $0x3  }
0xcb: {  	v59 =	vbroadcast v34, $0x9;
	[tilespmem:v38+s20+$0x0] =	vst.idx.msk $0xffff, v36  }
0xcc: {  	v60 =	vor.u32 v3, v37;
	v35 =	vld.idx.msk [tilespmem:v35+s11+$0x0], $0xffff  }
0xcd: {  	v61 =	vor.u32 v20, v59;
	s30 =	simm.s32 $0x9  }
0xce: {  	v62 =	vmov s30  }
0xcf: {  	v63 =	vshll.u32 v62, $0x3  }
0xd0: {  	v40 =	vand.u32 $0xC00, v63;
	v38 =	vand.u32 $0x79, v62  }
0xd1: {  	v43 =	vor.u32 v38, v40;
	[tilespmem:v60+s20+$0x0] =	vst.idx.msk $0xffff, v35  }
0xd2: {  	v44 =	vor.u32 v1, v43;
	v36 =	vld.idx.msk [tilespmem:v61+s11+$0x0], $0xffff  }
0xd3: {  	v45 =	vor.u32 v21, v59;
	_ =	sdelay $0x3  }
0xd4: {  	v46 =	vbroadcast v34, $0xA;
	[tilespmem:v44+s20+$0x0] =	vst.idx.msk $0xffff, v36  }
0xd5: {  	v35 =	vor.u32 v3, v43;
	v36 =	vld.idx.msk [tilespmem:v45+s11+$0x0], $0xffff  }
0xd6: {  	v47 =	vor.u32 v22, v46;
	s31 =	simm.s32 $0xA  }
0xd7: {  	v48 =	vmov s31  }
0xd8: {  	v49 =	vshll.u32 v48, $0x3  }
0xd9: {  	v38 =	vand.u32 $0x7A, v48;
	v40 =	vand.u32 $0xC00, v49  }
0xda: {  	v50 =	vor.u32 v38, v40;
	[tilespmem:v35+s20+$0x0] =	vst.idx.msk $0xffff, v36  }
0xdb: {  	v51 =	vor.u32 v1, v50;
	v36 =	vld.idx.msk [tilespmem:v47+s11+$0x0], $0xffff  }
0xdc: {  	v52 =	vor.u32 v23, v46;
	_ =	sdelay $0x3  }
0xdd: {  	v53 =	vbroadcast v34, $0xB;
	[tilespmem:v51+s20+$0x0] =	vst.idx.msk $0xffff, v36  }
0xde: {  	v35 =	vor.u32 v3, v50;
	v36 =	vld.idx.msk [tilespmem:v52+s11+$0x0], $0xffff  }
0xdf: {  	s1 =	simm.s32 $0xB;
	v54 =	vor.u32 v24, v53  }
0xe0: {  	v55 =	vmov s1  }
0xe1: {  	v56 =	vshll.u32 v55, $0x3  }
0xe2: {  	v38 =	vand.u32 $0x7B, v55;
	v40 =	vand.u32 $0xC00, v56  }
0xe3: {  	v57 =	vor.u32 v38, v40;
	[tilespmem:v35+s20+$0x0] =	vst.idx.msk $0xffff, v36  }
0xe4: {  	v58 =	vor.u32 v1, v57;
	v36 =	vld.idx.msk [tilespmem:v54+s11+$0x0], $0xffff  }
0xe5: {  	v59 =	vor.u32 v25, v53;
	_ =	sdelay $0x3  }
0xe6: {  	v60 =	vbroadcast v34, $0xC;
	[tilespmem:v58+s20+$0x0] =	vst.idx.msk $0xffff, v36  }
0xe7: {  	v35 =	vor.u32 v3, v57;
	v36 =	vld.idx.msk [tilespmem:v59+s11+$0x0], $0xffff  }
0xe8: {  	s9 =	simm.s32 $0xC;
	v61 =	vor.u32 v26, v60  }
0xe9: {  	v62 =	vmov s9  }
0xea: {  	v63 =	vshll.u32 v62, $0x3  }
0xeb: {  	v38 =	vand.u32 $0x7C, v62;
	v40 =	vand.u32 $0xC00, v63  }
0xec: {  	v42 =	vor.u32 v38, v40;
	[tilespmem:v35+s20+$0x0] =	vst.idx.msk $0xffff, v36  }
0xed: {  	v43 =	vor.u32 v1, v42;
	v36 =	vld.idx.msk [tilespmem:v61+s11+$0x0], $0xffff  }
0xee: {  	v44 =	vor.u32 v27, v60;
	_ =	sdelay $0x3  }
0xef: {  	v45 =	vbroadcast v34, $0xD;
	[tilespmem:v43+s20+$0x0] =	vst.idx.msk $0xffff, v36  }
0xf0: {  	v35 =	vor.u32 v3, v42;
	v36 =	vld.idx.msk [tilespmem:v44+s11+$0x0], $0xffff  }
0xf1: {  	s29 =	simm.s32 $0xD;
	v46 =	vor.u32 v28, v45  }
0xf2: {  	v47 =	vmov s29  }
0xf3: {  	v48 =	vshll.u32 v47, $0x3  }
0xf4: {  	v38 =	vand.u32 $0x7D, v47;
	v40 =	vand.u32 $0xC00, v48  }
0xf5: {  	v49 =	vor.u32 v38, v40;
	[tilespmem:v35+s20+$0x0] =	vst.idx.msk $0xffff, v36  }
0xf6: {  	v50 =	vor.u32 v1, v49;
	v36 =	vld.idx.msk [tilespmem:v46+s11+$0x0], $0xffff  }
0xf7: {  	v51 =	vor.u32 v29, v45;
	_ =	sdelay $0x3  }
0xf8: {  	v52 =	vbroadcast v34, $0xE;
	[tilespmem:v50+s20+$0x0] =	vst.idx.msk $0xffff, v36  }
0xf9: {  	v35 =	vor.u32 v3, v49;
	v36 =	vld.idx.msk [tilespmem:v51+s11+$0x0], $0xffff  }
0xfa: {  	s30 =	simm.s32 $0xE;
	v53 =	vor.u32 v30, v52  }
0xfb: {  	v54 =	vmov s30  }
0xfc: {  	v55 =	vshll.u32 v54, $0x3  }
0xfd: {  	v38 =	vand.u32 $0x7E, v54;
	v40 =	vand.u32 $0xC00, v55  }
0xfe: {  	v56 =	vor.u32 v38, v40;
	[tilespmem:v35+s20+$0x0] =	vst.idx.msk $0xffff, v36  }
0xff: {  	v57 =	vor.u32 v1, v56;
	v36 =	vld.idx.msk [tilespmem:v53+s11+$0x0], $0xffff  }
0x100: {  	v58 =	vor.u32 v31, v52;
	_ =	sdelay $0x3  }
0x101: {  	v34 =	vbroadcast v34, $0xF;
	[tilespmem:v57+s20+$0x0] =	vst.idx.msk $0xffff, v36  }
0x102: {  	v35 =	vor.u32 v3, v56;
	v36 =	vld.idx.msk [tilespmem:v58+s11+$0x0], $0xffff  }
0x103: {  	s31 =	simm.s32 $0xF;
	v59 =	vor.u32 v32, v34  }
0x104: {  	v60 =	vmov s31  }
0x105: {  	v61 =	vshll.u32 v60, $0x3  }
0x106: {  	v38 =	vand.u32 $0x7F, v60;
	v39 =	vand.u32 $0xC00, v61  }
0x107: {  	v62 =	vor.u32 v38, v39;
	[tilespmem:v35+s20+$0x0] =	vst.idx.msk $0xffff, v36  }
0x108: {  	v63 =	vor.u32 v1, v62;
	v36 =	vld.idx.msk [tilespmem:v59+s11+$0x0], $0xffff  }
0x109: {  	v34 =	vor.u32 v33, v34;
	_ =	sdelay $0x3  }
0x10a: {  	[tilespmem:v63+s20+$0x0] =	vst.idx.msk $0xffff, v36  }
0x10b: {  	s28 =	simm.s32 $0x1F;
	v35 =	vor.u32 v3, v62;
	v34 =	vld.idx.msk [tilespmem:v34+s11+$0x0], $0xffff  }
.LBB2_2:
0x10c: {  	_ =	sdelay $0x3  }
0x10d: {  	s25 =	sadd.s32 $0x10, s25;
	[tilespmem:v35+s20+$0x0] =	vst.idx.msk $0xffff, v34  }
0x10e: {  	v34 =	vld [tilespmem:s25+$0xFFFFFFF0]  }
0x10f: {  	s26 =	sadd.s32 $0x10, s26  }
0x110: {  	v35 =	vld [tilespmem:s26+$0xFFFFFFF0];
	_ =	sdelay $0x2  }
0x111: {  	v34 =	vmul.u32 $0x3E8, v34;
	_ =	sdelay $0x1  }
0x112: {  	v34 =	vadd.s32 v35, v34  }
0x113: {  	v35 =	vand.u32 $0xFFFFFF80, v34  }
0x114: {  	v48 =	vadd.s32 s0, v35  }
0x115: {  	(v2sf) =	vpush v48, $0x8;
	_ =	sdelay $0x1  }
0x116: {  	(v2sf) =	vpush v48, $0x9;
	_ =	sdelay $0x1  }
0x117: {  	(v2sf) =	vpush v48, $0xA;
	_ =	sdelay $0x1  }
0x118: {  	(v2sf) =	vpush v48, $0xB;
	_ =	sdelay $0x1  }
0x119: {  	(v2sf) =	vpush v48, $0xC;
	_ =	sdelay $0x1  }
0x11a: {  	(v2sf) =	vpush v48, $0xD;
	_ =	sdelay $0x1  }
0x11b: {  	(v2sf) =	vpush v48, $0xE;
	_ =	sdelay $0x1  }
0x11c: {  	(v2sf) =	vpush v48, $0xF  }
0x11d: {  	s2 =	rddreg [dreg:$0x5];
	s31 =	spop (v2sf)  }
0x11e: {  	[tilespmem:s2], [sflag:$0x2] =	stream.strided.gather [hbm4b:s31+s11], $0x1000, s10, s11, $0x38;
	[tilespmem:$0x14400] =	vst v63  }
0x11f: {  	s30 =	rddreg [dreg:$0x6];
	s1 =	spop (v2sf)  }
0x120: {  	[tilespmem:s30], [sflag:$0x2] =	stream.strided.gather [hbm4b:s1+s11], $0x1000, s10, s11, $0x38;
	[tilespmem:$0x14400] =	vst v63  }
0x121: {  	s2 =	rddreg [dreg:$0x7];
	s9 =	spop (v2sf)  }
0x122: {  	[tilespmem:s2], [sflag:$0x2] =	stream.strided.gather [hbm4b:s9+s11], $0x1000, s10, s11, $0x38;
	[tilespmem:$0x14400] =	vst v63  }
0x123: {  	s30 =	rddreg [dreg:$0x8];
	s1 =	spop (v2sf)  }
0x124: {  	[tilespmem:s30], [sflag:$0x2] =	stream.strided.gather [hbm4b:s1+s11], $0x1000, s10, s11, $0x38;
	[tilespmem:$0x14400] =	vst v63  }
0x125: {  	s2 =	rddreg [dreg:$0x9];
	s9 =	spop (v2sf)  }
0x126: {  	[tilespmem:s2], [sflag:$0x2] =	stream.strided.gather [hbm4b:s9+s11], $0x1000, s10, s11, $0x38;
	[tilespmem:$0x14400] =	vst v63  }
0x127: {  	s30 =	rddreg [dreg:$0xa];
	s1 =	spop (v2sf)  }
0x128: {  	v34 =	vand.u32 $0x7F, v34;
	[tilespmem:s30], [sflag:$0x2] =	stream.strided.gather [hbm4b:s1+s11], $0x1000, s10, s11, $0x38;
	[tilespmem:$0x14400] =	vst v63  }
0x129: {  	s29 =	smov.u32 s28;
	v49 =	vbroadcast v34, $0x0;
	s2 =	rddreg [dreg:$0xb];
	s9 =	spop (v2sf)  }
0x12a: {  	[tilespmem:s2], [sflag:$0x2] =	stream.strided.gather [hbm4b:s9+s11], $0x1000, s10, s11, $0x38;
	[tilespmem:$0x14400] =	vst v63  }
0x12b: {  	v56 =	vor.u32 v0, v49;
	s30 =	rddreg [dreg:$0xc];
	s1 =	sadd.s32 $0xFFFFFFF1, s29;
	s9 =	spop (v2sf)  }
0x12c: {  	v51 =	vmov s1;
	[tilespmem:s30], [sflag:$0x2] =	stream.strided.gather [hbm4b:s9+s11], $0x1000, s10, s11, $0x38;
	[tilespmem:$0x14400] =	vst v63  }
0x12d: {  	v52 =	vshll.u32 v51, $0x3;
	_ =	swait.ge [sflag:s19], $0x8000  }
0x12e: {  	v51 =	vand.u32 $0x70, v51;
	v52 =	vand.u32 $0xC00, v52;
	[sflag:s19] =	ssyncset.done $0x0  }
0x12f: {  	v51 =	vor.u32 v51, v52;
	[sflag:s19] =	ssyncadd.s32 $0xFFFF8000  }
0x130: {  	v52 =	vor.u32 v1, v51;
	v48 =	vld.idx.msk [tilespmem:v56+s11+$0x0], $0xffff  }
0x131: {  	v49 =	vor.u32 v2, v49;
	_ =	sdelay $0x3  }
0x132: {  	v50 =	vbroadcast v34, $0x1;
	[tilespmem:v52+s20+$0x0] =	vst.idx.msk $0xffff, v48  }
0x133: {  	v57 =	vor.u32 v3, v51;
	v48 =	vld.idx.msk [tilespmem:v49+s11+$0x0], $0xffff  }
0x134: {  	v58 =	vor.u32 v4, v50;
	s31 =	sadd.s32 $0xFFFFFFF2, s29  }
0x135: {  	v59 =	vmov s31  }
0x136: {  	v53 =	vshll.u32 v59, $0x3  }
0x137: {  	v60 =	vand.u32 $0x71, v59;
	v61 =	vand.u32 $0xC00, v53  }
0x138: {  	[tilespmem:v57+s20+$0x0] =	vst.idx.msk $0xffff, v48;
	v48 =	vor.u32 v60, v61  }
0x139: {  	v51 =	vld.idx.msk [tilespmem:v58+s11+$0x0], $0xffff;
	v49 =	vor.u32 v1, v48  }
0x13a: {  	v50 =	vor.u32 v5, v50;
	_ =	sdelay $0x3  }
0x13b: {  	v47 =	vbroadcast v34, $0x2;
	[tilespmem:v49+s20+$0x0] =	vst.idx.msk $0xffff, v51  }
0x13c: {  	v48 =	vor.u32 v3, v48;
	v49 =	vld.idx.msk [tilespmem:v50+s11+$0x0], $0xffff  }
0x13d: {  	v62 =	vor.u32 v6, v47;
	s1 =	sadd.s32 $0xFFFFFFF3, s29  }
0x13e: {  	v63 =	vmov s1  }
0x13f: {  	v56 =	vshll.u32 v63, $0x3  }
0x140: {  	v57 =	vand.u32 $0x72, v63;
	v58 =	vand.u32 $0xC00, v56  }
0x141: {  	[tilespmem:v48+s20+$0x0] =	vst.idx.msk $0xffff, v49;
	v48 =	vor.u32 v57, v58  }
0x142: {  	v50 =	vld.idx.msk [tilespmem:v62+s11+$0x0], $0xffff;
	v49 =	vor.u32 v1, v48  }
0x143: {  	v47 =	vor.u32 v7, v47;
	_ =	sdelay $0x3  }
0x144: {  	v46 =	vbroadcast v34, $0x3;
	[tilespmem:v49+s20+$0x0] =	vst.idx.msk $0xffff, v50  }
0x145: {  	v48 =	vor.u32 v3, v48;
	v47 =	vld.idx.msk [tilespmem:v47+s11+$0x0], $0xffff  }
0x146: {  	v59 =	vor.u32 v8, v46;
	s9 =	sadd.s32 $0xFFFFFFF4, s29  }
0x147: {  	v60 =	vmov s9  }
0x148: {  	v61 =	vshll.u32 v60, $0x3  }
0x149: {  	v63 =	vand.u32 $0xC00, v61;
	v62 =	vand.u32 $0x73, v60  }
0x14a: {  	[tilespmem:v48+s20+$0x0] =	vst.idx.msk $0xffff, v47;
	v47 =	vor.u32 v62, v63  }
0x14b: {  	v49 =	vld.idx.msk [tilespmem:v59+s11+$0x0], $0xffff;
	v48 =	vor.u32 v1, v47  }
0x14c: {  	v46 =	vor.u32 v9, v46;
	_ =	sdelay $0x3  }
0x14d: {  	v45 =	vbroadcast v34, $0x4;
	[tilespmem:v48+s20+$0x0] =	vst.idx.msk $0xffff, v49  }
0x14e: {  	v47 =	vor.u32 v3, v47;
	v46 =	vld.idx.msk [tilespmem:v46+s11+$0x0], $0xffff  }
0x14f: {  	s30 =	sadd.s32 $0xFFFFFFF5, s29;
	v52 =	vor.u32 v10, v45  }
0x150: {  	v53 =	vmov s30  }
0x151: {  	v54 =	vshll.u32 v53, $0x3  }
0x152: {  	v55 =	vand.u32 $0x74, v53;
	v56 =	vand.u32 $0xC00, v54  }
0x153: {  	[tilespmem:v47+s20+$0x0] =	vst.idx.msk $0xffff, v46;
	v46 =	vor.u32 v55, v56  }
0x154: {  	v48 =	vld.idx.msk [tilespmem:v52+s11+$0x0], $0xffff;
	v47 =	vor.u32 v1, v46  }
0x155: {  	v45 =	vor.u32 v11, v45;
	_ =	sdelay $0x3  }
0x156: {  	v44 =	vbroadcast v34, $0x5;
	[tilespmem:v47+s20+$0x0] =	vst.idx.msk $0xffff, v48  }
0x157: {  	v46 =	vor.u32 v3, v46;
	v45 =	vld.idx.msk [tilespmem:v45+s11+$0x0], $0xffff  }
0x158: {  	s31 =	sadd.s32 $0xFFFFFFF6, s29;
	v57 =	vor.u32 v12, v44  }
0x159: {  	v58 =	vmov s31  }
0x15a: {  	v59 =	vshll.u32 v58, $0x3  }
0x15b: {  	v60 =	vand.u32 $0x75, v58;
	v61 =	vand.u32 $0xC00, v59  }
0x15c: {  	[tilespmem:v46+s20+$0x0] =	vst.idx.msk $0xffff, v45;
	v45 =	vor.u32 v60, v61  }
0x15d: {  	v47 =	vld.idx.msk [tilespmem:v57+s11+$0x0], $0xffff;
	v46 =	vor.u32 v1, v45  }
0x15e: {  	v44 =	vor.u32 v13, v44;
	_ =	sdelay $0x3  }
0x15f: {  	v43 =	vbroadcast v34, $0x6;
	[tilespmem:v46+s20+$0x0] =	vst.idx.msk $0xffff, v47  }
0x160: {  	v45 =	vor.u32 v3, v45;
	v44 =	vld.idx.msk [tilespmem:v44+s11+$0x0], $0xffff  }
0x161: {  	s1 =	sadd.s32 $0xFFFFFFF7, s29;
	v62 =	vor.u32 v14, v43  }
0x162: {  	v63 =	vmov s1  }
0x163: {  	v52 =	vshll.u32 v63, $0x3  }
0x164: {  	v53 =	vand.u32 $0x76, v63;
	v54 =	vand.u32 $0xC00, v52  }
0x165: {  	[tilespmem:v45+s20+$0x0] =	vst.idx.msk $0xffff, v44;
	v44 =	vor.u32 v53, v54  }
0x166: {  	v46 =	vld.idx.msk [tilespmem:v62+s11+$0x0], $0xffff;
	v45 =	vor.u32 v1, v44  }
0x167: {  	v43 =	vor.u32 v15, v43;
	_ =	sdelay $0x3  }
0x168: {  	v42 =	vbroadcast v34, $0x7;
	[tilespmem:v45+s20+$0x0] =	vst.idx.msk $0xffff, v46  }
0x169: {  	v44 =	vor.u32 v3, v44;
	v43 =	vld.idx.msk [tilespmem:v43+s11+$0x0], $0xffff  }
0x16a: {  	s9 =	sadd.s32 $0xFFFFFFF8, s29;
	v55 =	vor.u32 v16, v42  }
0x16b: {  	v56 =	vmov s9  }
0x16c: {  	v57 =	vshll.u32 v56, $0x3  }
0x16d: {  	v58 =	vand.u32 $0x77, v56;
	v59 =	vand.u32 $0xC00, v57  }
0x16e: {  	[tilespmem:v44+s20+$0x0] =	vst.idx.msk $0xffff, v43;
	v43 =	vor.u32 v58, v59  }
0x16f: {  	v45 =	vld.idx.msk [tilespmem:v55+s11+$0x0], $0xffff;
	v44 =	vor.u32 v1, v43  }
0x170: {  	v42 =	vor.u32 v17, v42;
	_ =	sdelay $0x3  }
0x171: {  	[tilespmem:v44+s20+$0x0] =	vst.idx.msk $0xffff, v45  }
0x172: {  	v43 =	vor.u32 v3, v43;
	v42 =	vld.idx.msk [tilespmem:v42+s11+$0x0], $0xffff;
	_ =	sdelay $0x4  }
0x173: {  	p1 =	seq.s32 s29, $0x1FF;
	[tilespmem:v43+s20+$0x0] =	vst.idx.msk $0xffff, v42  }
0x174: {  	v42 =	vld @!p1 [tilespmem:s25+$0x0];
	_ =	sdelay $0x1  }
0x175: {  	v43 =	vld @!p1 [tilespmem:s26+$0x0];
	_ =	sdelay $0x2  }
0x176: {  	v42 =	vmul.u32 @!p1 $0x3E8, v42;
	_ =	sdelay $0x1  }
0x177: {  	v42 =	vadd.s32 @!p1 v43, v42  }
0x178: {  	v42 =	vand.u32 @!p1 $0xFFFFFF80, v42  }
0x179: {  	v42 =	vadd.s32 @!p1 s0, v42  }
0x17a: {  	(v2sf) =	vpush @!p1 v42, $0x0;
	_ =	sdelay $0x1  }
0x17b: {  	(v2sf) =	vpush @!p1 v42, $0x1;
	_ =	sdelay $0x1  }
0x17c: {  	(v2sf) =	vpush @!p1 v42, $0x2;
	_ =	sdelay $0x1  }
0x17d: {  	(v2sf) =	vpush @!p1 v42, $0x3;
	_ =	sdelay $0x1  }
0x17e: {  	(v2sf) =	vpush @!p1 v42, $0x4;
	_ =	sdelay $0x1  }
0x17f: {  	(v2sf) =	vpush @!p1 v42, $0x5;
	_ =	sdelay $0x1  }
0x180: {  	(v2sf) =	vpush @!p1 v42, $0x6;
	_ =	sdelay $0x1  }
0x181: {  	(v2sf) =	vpush @!p1 v42, $0x7  }
0x182: {  	s2 =	simm.s32 @!p1 $0x7A1400;
	s30 =	simm.s32 @!p1 $0x400;
	s31 =	spop @!p1 (v2sf)  }
0x183: {  	[tilespmem:s30], [sflag:$0x1] =	stream.strided.gather @!p1 [hbm4b:s31+s30], $0x1000, s2, s30, $0x38;
	[tilespmem:$0x14400] =	vst v63  }
0x184: {  	s31 =	simm.s32 @!p1 $0x1400;
	s1 =	spop @!p1 (v2sf)  }
0x185: {  	[tilespmem:s31], [sflag:$0x1] =	stream.strided.gather @!p1 [hbm4b:s1+s30], $0x1000, s2, s30, $0x38;
	[tilespmem:$0x14400] =	vst v63  }
0x186: {  	s1 =	simm.s32 @!p1 $0x2400;
	s31 =	spop @!p1 (v2sf)  }
0x187: {  	[tilespmem:s1], [sflag:$0x1] =	stream.strided.gather @!p1 [hbm4b:s31+s30], $0x1000, s2, s30, $0x38;
	[tilespmem:$0x14400] =	vst v63  }
0x188: {  	s1 =	simm.s32 @!p1 $0x3400;
	s31 =	spop @!p1 (v2sf)  }
0x189: {  	[tilespmem:s1], [sflag:$0x1] =	stream.strided.gather @!p1 [hbm4b:s31+s30], $0x1000, s2, s30, $0x38;
	[tilespmem:$0x14400] =	vst v63  }
0x18a: {  	s1 =	simm.s32 @!p1 $0x4400;
	s31 =	spop @!p1 (v2sf)  }
0x18b: {  	[tilespmem:s1], [sflag:$0x1] =	stream.strided.gather @!p1 [hbm4b:s31+s30], $0x1000, s2, s30, $0x38;
	[tilespmem:$0x14400] =	vst v63  }
0x18c: {  	s1 =	simm.s32 @!p1 $0x5400;
	s31 =	spop @!p1 (v2sf)  }
0x18d: {  	[tilespmem:s1], [sflag:$0x1] =	stream.strided.gather @!p1 [hbm4b:s31+s30], $0x1000, s2, s30, $0x38;
	[tilespmem:$0x14400] =	vst v63  }
0x18e: {  	v41 =	vbroadcast v34, $0x8;
	s1 =	simm.s32 @!p1 $0x6400;
	s31 =	spop @!p1 (v2sf)  }
0x18f: {  	[tilespmem:s1], [sflag:$0x1] =	stream.strided.gather @!p1 [hbm4b:s31+s30], $0x1000, s2, s30, $0x38;
	[tilespmem:$0x14400] =	vst v63  }
0x190: {  	v60 =	vor.u32 v18, v41;
	s9 =	spop @!p1 (v2sf);
	s1 =	simm.s32 @!p1 $0x7400;
	s31 =	sadd.s32 $0xFFFFFFF9, s29  }
0x191: {  	v61 =	vmov s31;
	[tilespmem:s1], [sflag:$0x1] =	stream.strided.gather @!p1 [hbm4b:s9+s30], $0x1000, s2, s30, $0x38;
	[tilespmem:$0x14400] =	vst v63  }
0x192: {  	v62 =	vshll.u32 v61, $0x3;
	_ =	swait.ge [sflag:s21], $0x8000  }
0x193: {  	v43 =	vand.u32 $0x78, v61;
	v44 =	vand.u32 $0xC00, v62;
	[sflag:s21] =	ssyncset.done $0x0  }
0x194: {  	v43 =	vor.u32 v43, v44;
	[sflag:s21] =	ssyncadd.s32 $0xFFFF8000  }
0x195: {  	v44 =	vor.u32 v1, v43;
	v42 =	vld.idx.msk [tilespmem:v60+s11+$0x0], $0xffff  }
0x196: {  	v41 =	vor.u32 v19, v41;
	_ =	sdelay $0x3  }
0x197: {  	v40 =	vbroadcast v34, $0x9;
	[tilespmem:v44+s20+$0x0] =	vst.idx.msk $0xffff, v42  }
0x198: {  	v63 =	vor.u32 v3, v43;
	v41 =	vld.idx.msk [tilespmem:v41+s11+$0x0], $0xffff  }
0x199: {  	v48 =	vor.u32 v20, v40;
	s30 =	sadd.s32 $0xFFFFFFFA, s29  }
0x19a: {  	v49 =	vmov s30  }
0x19b: {  	v50 =	vshll.u32 v49, $0x3  }
0x19c: {  	v51 =	vand.u32 $0x79, v49;
	v52 =	vand.u32 $0xC00, v50  }
0x19d: {  	[tilespmem:v63+s20+$0x0] =	vst.idx.msk $0xffff, v41;
	v41 =	vor.u32 v51, v52  }
0x19e: {  	v43 =	vld.idx.msk [tilespmem:v48+s11+$0x0], $0xffff;
	v42 =	vor.u32 v1, v41  }
0x19f: {  	v40 =	vor.u32 v21, v40;
	_ =	sdelay $0x3  }
0x1a0: {  	v39 =	vbroadcast v34, $0xA;
	[tilespmem:v42+s20+$0x0] =	vst.idx.msk $0xffff, v43  }
0x1a1: {  	v41 =	vor.u32 v3, v41;
	v40 =	vld.idx.msk [tilespmem:v40+s11+$0x0], $0xffff  }
0x1a2: {  	v53 =	vor.u32 v22, v39;
	s31 =	sadd.s32 $0xFFFFFFFB, s29  }
0x1a3: {  	v54 =	vmov s31  }
0x1a4: {  	v55 =	vshll.u32 v54, $0x3  }
0x1a5: {  	v56 =	vand.u32 $0x7A, v54;
	v57 =	vand.u32 $0xC00, v55  }
0x1a6: {  	[tilespmem:v41+s20+$0x0] =	vst.idx.msk $0xffff, v40;
	v40 =	vor.u32 v56, v57  }
0x1a7: {  	v42 =	vld.idx.msk [tilespmem:v53+s11+$0x0], $0xffff;
	v41 =	vor.u32 v1, v40  }
0x1a8: {  	v39 =	vor.u32 v23, v39;
	_ =	sdelay $0x3  }
0x1a9: {  	v38 =	vbroadcast v34, $0xB;
	[tilespmem:v41+s20+$0x0] =	vst.idx.msk $0xffff, v42  }
0x1aa: {  	v40 =	vor.u32 v3, v40;
	v39 =	vld.idx.msk [tilespmem:v39+s11+$0x0], $0xffff  }
0x1ab: {  	v58 =	vor.u32 v24, v38;
	s2 =	sadd.s32 $0xFFFFFFFC, s29  }
0x1ac: {  	v59 =	vmov s2  }
0x1ad: {  	v60 =	vshll.u32 v59, $0x3  }
0x1ae: {  	v61 =	vand.u32 $0x7B, v59;
	v62 =	vand.u32 $0xC00, v60  }
0x1af: {  	[tilespmem:v40+s20+$0x0] =	vst.idx.msk $0xffff, v39;
	v39 =	vor.u32 v61, v62  }
0x1b0: {  	v41 =	vld.idx.msk [tilespmem:v58+s11+$0x0], $0xffff;
	v40 =	vor.u32 v1, v39  }
0x1b1: {  	v38 =	vor.u32 v25, v38;
	_ =	sdelay $0x3  }
0x1b2: {  	v37 =	vbroadcast v34, $0xC;
	[tilespmem:v40+s20+$0x0] =	vst.idx.msk $0xffff, v41  }
0x1b3: {  	v39 =	vor.u32 v3, v39;
	v38 =	vld.idx.msk [tilespmem:v38+s11+$0x0], $0xffff  }
0x1b4: {  	s9 =	sadd.s32 $0xFFFFFFFD, s29;
	v63 =	vor.u32 v26, v37  }
0x1b5: {  	v45 =	vmov s9  }
0x1b6: {  	v46 =	vshll.u32 v45, $0x3  }
0x1b7: {  	v47 =	vand.u32 $0x7C, v45;
	v48 =	vand.u32 $0xC00, v46  }
0x1b8: {  	[tilespmem:v39+s20+$0x0] =	vst.idx.msk $0xffff, v38;
	v38 =	vor.u32 v47, v48  }
0x1b9: {  	v40 =	vld.idx.msk [tilespmem:v63+s11+$0x0], $0xffff;
	v39 =	vor.u32 v1, v38  }
0x1ba: {  	v37 =	vor.u32 v27, v37;
	_ =	sdelay $0x3  }
0x1bb: {  	v36 =	vbroadcast v34, $0xD;
	[tilespmem:v39+s20+$0x0] =	vst.idx.msk $0xffff, v40  }
0x1bc: {  	v38 =	vor.u32 v3, v38;
	v37 =	vld.idx.msk [tilespmem:v37+s11+$0x0], $0xffff  }
0x1bd: {  	s30 =	sadd.s32 $0xFFFFFFFE, s29;
	v49 =	vor.u32 v28, v36  }
0x1be: {  	v50 =	vmov s30  }
0x1bf: {  	v51 =	vshll.u32 v50, $0x3  }
0x1c0: {  	v52 =	vand.u32 $0x7D, v50;
	v53 =	vand.u32 $0xC00, v51  }
0x1c1: {  	[tilespmem:v38+s20+$0x0] =	vst.idx.msk $0xffff, v37;
	v37 =	vor.u32 v52, v53  }
0x1c2: {  	v39 =	vld.idx.msk [tilespmem:v49+s11+$0x0], $0xffff;
	v38 =	vor.u32 v1, v37  }
0x1c3: {  	v36 =	vor.u32 v29, v36;
	_ =	sdelay $0x3  }
0x1c4: {  	v35 =	vbroadcast v34, $0xE;
	[tilespmem:v38+s20+$0x0] =	vst.idx.msk $0xffff, v39  }
0x1c5: {  	v37 =	vor.u32 v3, v37;
	v36 =	vld.idx.msk [tilespmem:v36+s11+$0x0], $0xffff  }
0x1c6: {  	s31 =	sadd.s32 $0xFFFFFFFF, s29;
	v54 =	vor.u32 v30, v35  }
0x1c7: {  	v55 =	vmov s31  }
0x1c8: {  	v56 =	vshll.u32 v55, $0x3  }
0x1c9: {  	v57 =	vand.u32 $0x7E, v55;
	v58 =	vand.u32 $0xC00, v56  }
0x1ca: {  	[tilespmem:v37+s20+$0x0] =	vst.idx.msk $0xffff, v36;
	v36 =	vor.u32 v57, v58  }
0x1cb: {  	v38 =	vld.idx.msk [tilespmem:v54+s11+$0x0], $0xffff;
	v37 =	vor.u32 v1, v36  }
0x1cc: {  	v35 =	vor.u32 v31, v35;
	_ =	sdelay $0x3  }
0x1cd: {  	v34 =	vbroadcast v34, $0xF;
	[tilespmem:v37+s20+$0x0] =	vst.idx.msk $0xffff, v38  }
0x1ce: {  	v36 =	vor.u32 v3, v36;
	v35 =	vld.idx.msk [tilespmem:v35+s11+$0x0], $0xffff  }
0x1cf: {  	v59 =	vor.u32 v32, v34  }
0x1d0: {  	v60 =	vmov s29  }
0x1d1: {  	v61 =	vshll.u32 v60, $0x3  }
0x1d2: {  	v62 =	vand.u32 $0x7F, v60;
	v63 =	vand.u32 $0xC00, v61  }
0x1d3: {  	[tilespmem:v36+s20+$0x0] =	vst.idx.msk $0xffff, v35;
	v35 =	vor.u32 v62, v63  }
0x1d4: {  	s28 =	sadd.s32 $0x10, s28;
	v37 =	vld.idx.msk [tilespmem:v59+s11+$0x0], $0xffff;
	v36 =	vor.u32 v1, v35  }
0x1d5: {  	p0 =	sne.s32 s28, $0x20F;
	v34 =	vor.u32 v33, v34  }
.Ltmp0:
0x1d6: {  	_ = 	snop;
	(pc) =	sbr.rel @p0 .LBB2_2-.Ltmp0, $3  }
0x1d7: {  	_ =	sdelay $0x1  }
0x1d8: {  	[tilespmem:v36+s20+$0x0] =	vst.idx.msk $0xffff, v37  }
0x1d9: {  	v35 =	vor.u32 v3, v35;
	v34 =	vld.idx.msk [tilespmem:v34+s11+$0x0], $0xffff  }
0x1da: {  	_ =	sdelay $0x1  }
0x1db: {  	s24 =	sadd.s32 $0x1, s24  }
0x1dc: {  	p0 =	sne.s32 s24, s7  }
.Ltmp1:
0x1dd: {  	[tilespmem:v35+s20+$0x0] =	vst.idx.msk $0xffff, v34;
	(pc) =	sbr.rel @p0 .LBB2_1-.Ltmp1, $4  }
0x1de: {  	[hbm4b:s6+s22] =	stream.strided.scatter [tilespmem:s20], [sflag:$0x3], $0x4000, s23, s22, $0x38;
	[tilespmem:$0x14400] =	vst v63  }
0x1df: {  	_ =	swait.ge [sflag:s8], $0x4000  }
0x1e0: {  	[sflag:s8] =	ssyncset.done $0x0  }
0x1e1: {  	[sflag:s8] =	ssyncadd.s32 $0xFFFFC000  }
0x1e2: {  	_ =	sfence.sel $0x180000  }
0x1e3: {  	[bflag:$0x0] =	sbarrier.arrive $0xFFFF  }
0x1e4: {  	_ =	strace $0x90000047  }
0x1e5: {  	s0 =	stileid.u32;
	[bflag:$0x2] =	sbarrier.arrive $0xFFFF  }
0x1e6: {  	p0 =	sne.s32 s0, $0x0;
	s0 =	rddreg [dreg:$0x4]  }
0x1e7: {  	s0 =	sadd.s32 @!p0 $0x100000, s0  }
0x1e8: {  	[sflag:s0] =	ssyncadd.tile.s32 @!p0 $0x1;
	_ =	shalt  }
.Lfunc_end2:
_tile_overlayer_lowered:
.L_overlay_start_2:
0x1e9: {  	(tag) =	ssettag $0x2  }
0x1ea: {  	s0 =	rddreg [dreg:$0x0];
	s2 =	stileid.u32  }
0x1eb: {  	s1 =	rddreg [dreg:$0x1];
	p0 =	sne.s32 s2, $0x0  }
0x1ec: {  	s3 =	rddreg [dreg:$0x2];
	[bflag:$0x3] =	sbarrier.arrive $0xFFFF;
	s2 =	simm.s32 @!p0 $0x1C03  }
0x1ed: {  	[timem:s3], [sflag:s2] =	dma.local @!p0 [hbm:s0], s1  }
0x1ee: {  	s0 =	simm.s32 @!p0 $0x3  }
0x1ef: {  	_ =	swait.ge @!p0 [sflag:s0], s1  }
0x1f0: {  	s1 =	ssub.s32 @!p0 $0x0, s1;
	[sflag:s0] =	ssyncset.done @!p0 $0x0  }
0x1f1: {  	[sflag:s0] =	ssyncadd.s32 @!p0 s1  }
0x1f2: {  	[bflag:$0x3] =	sbarrier.arrive $0xFFFF  }
0x1f3: {  	_ =	shalt  }

</sc_bundles>
